<compile_context>
chip_gen: v7x
topology: tpu7x:2x2x1
jax: 0.10.2.dev20260603
libtpu: 0.0.44.dev20260713+nightly
codegen_flags: <defaults>
</compile_context>

<pallas_src>
import functools

import jax
import jax.numpy as jnp
from jax import lax
from jax.experimental import pallas as pl
from jax.experimental.pallas import tpu as pltpu
from jax.experimental.pallas import tpu_sc as plsc

S, H = 2048, 1024
E, I_DIM, IS_DIM, TOPK = 64, 512, 512, 2
T = 64
N_TILES = 128
P_MAX = N_TILES * T
TOKEN_BLK = 256
N_TOK_BLKS = S // TOKEN_BLK


def _router_shared_body(x_ref, wgate_ref, bias_ref, wg_ref, wu_ref, wd_ref,
                        shared_ref, sel0_ref, sel1_ref, w0_ref, w1_ref):
    xb = x_ref[...]
    logits = lax.dot_general(xb, wgate_ref[...], (((1,), (1,)), ((), ())),
                             preferred_element_type=jnp.float32)
    scores = jax.nn.sigmoid(logits)
    biased = scores + bias_ref[...]
    col = lax.broadcasted_iota(jnp.int32, biased.shape, 1)
    m1 = jnp.max(biased, axis=1, keepdims=True)
    a1 = jnp.min(jnp.where(biased == m1, col, E), axis=1, keepdims=True)
    b2 = jnp.where(col == a1, -jnp.inf, biased)
    m2 = jnp.max(b2, axis=1, keepdims=True)
    a2 = jnp.min(jnp.where(b2 == m2, col, E), axis=1, keepdims=True)
    s1 = jnp.sum(jnp.where(col == a1, scores, 0.0), axis=1)
    s2 = jnp.sum(jnp.where(col == a2, scores, 0.0), axis=1)
    den = s1 + s2 + 1e-20
    sel0_ref[0, 0, :] = a1[:, 0]
    sel1_ref[0, 0, :] = a2[:, 0]
    w0_ref[0, 0, :] = s1 / den
    w1_ref[0, 0, :] = s2 / den
    xb16 = xb.astype(jnp.bfloat16)
    wg = wg_ref[...].astype(jnp.bfloat16)
    wu = wu_ref[...].astype(jnp.bfloat16)
    wd = wd_ref[...].astype(jnp.bfloat16)
    g = lax.dot_general(xb16, wg, (((1,), (1,)), ((), ())),
                        preferred_element_type=jnp.float32)
    u = lax.dot_general(xb16, wu, (((1,), (1,)), ((), ())),
                        preferred_element_type=jnp.float32)
    hmid = (g * jax.nn.sigmoid(g) * u).astype(jnp.bfloat16)
    shared_ref[...] = lax.dot_general(hmid, wd, (((1,), (1,)), ((), ())),
                                      preferred_element_type=jnp.float32)


def _router_shared(tokens, W_gate, bias2d, Wg, Wu, Wd):
    return pl.pallas_call(
        _router_shared_body,
        grid=(N_TOK_BLKS,),
        in_specs=[
            pl.BlockSpec((TOKEN_BLK, H), lambda i: (i, 0)),
            pl.BlockSpec((E, H), lambda i: (0, 0)),
            pl.BlockSpec((1, E), lambda i: (0, 0)),
            pl.BlockSpec((IS_DIM, H), lambda i: (0, 0)),
            pl.BlockSpec((IS_DIM, H), lambda i: (0, 0)),
            pl.BlockSpec((H, IS_DIM), lambda i: (0, 0)),
        ],
        out_specs=[
            pl.BlockSpec((TOKEN_BLK, H), lambda i: (i, 0)),
            pl.BlockSpec((1, 1, TOKEN_BLK), lambda i: (i, 0, 0)),
            pl.BlockSpec((1, 1, TOKEN_BLK), lambda i: (i, 0, 0)),
            pl.BlockSpec((1, 1, TOKEN_BLK), lambda i: (i, 0, 0)),
            pl.BlockSpec((1, 1, TOKEN_BLK), lambda i: (i, 0, 0)),
        ],
        out_shape=[
            jax.ShapeDtypeStruct((S, H), jnp.float32),
            jax.ShapeDtypeStruct((N_TOK_BLKS, 1, TOKEN_BLK), jnp.int32),
            jax.ShapeDtypeStruct((N_TOK_BLKS, 1, TOKEN_BLK), jnp.int32),
            jax.ShapeDtypeStruct((N_TOK_BLKS, 1, TOKEN_BLK), jnp.float32),
            jax.ShapeDtypeStruct((N_TOK_BLKS, 1, TOKEN_BLK), jnp.float32),
        ],
    )(tokens, W_gate, bias2d, Wg, Wu, Wd)


def _group_body(te_ref, xr_ref, eg_ref, eu_ref, ed_ref, wp_ref, y_ref):
    xb = xr_ref[...].astype(jnp.bfloat16)
    eg = eg_ref[0].astype(jnp.bfloat16)
    eu = eu_ref[0].astype(jnp.bfloat16)
    g = lax.dot_general(xb, eg, (((1,), (0,)), ((), ())),
                        preferred_element_type=jnp.float32)
    u = lax.dot_general(xb, eu, (((1,), (0,)), ((), ())),
                        preferred_element_type=jnp.float32)
    hmid = (g * jax.nn.sigmoid(g) * u).astype(jnp.bfloat16)
    ed = ed_ref[0].astype(jnp.bfloat16)
    y = lax.dot_general(hmid, ed, (((1,), (0,)), ((), ())),
                        preferred_element_type=jnp.float32)
    y_ref[...] = y * wp_ref[0]


def _grouped_mlp(tile_expert, x_rows, Eg, Eu, Ed, w_pad):
    grid_spec = pltpu.PrefetchScalarGridSpec(
        num_scalar_prefetch=1,
        grid=(N_TILES,),
        in_specs=[
            pl.BlockSpec((T, H), lambda i, te: (i, 0)),
            pl.BlockSpec((1, H, I_DIM), lambda i, te: (te[i], 0, 0)),
            pl.BlockSpec((1, H, I_DIM), lambda i, te: (te[i], 0, 0)),
            pl.BlockSpec((1, I_DIM, H), lambda i, te: (te[i], 0, 0)),
            pl.BlockSpec((1, T, 1), lambda i, te: (i, 0, 0)),
        ],
        out_specs=pl.BlockSpec((T, H), lambda i, te: (i, 0)),
    )
    return pl.pallas_call(
        _group_body,
        grid_spec=grid_spec,
        out_shape=jax.ShapeDtypeStruct((P_MAX, H), jnp.float32),
    )(tile_expert, x_rows, Eg, Eu, Ed, w_pad)


NC, NS = 2, 16
NW = NC * NS
GCH = 32
_SC_MESH = dict(core_axis_name="c", subcore_axis_name="s")


def _sc_row_gather(table, idx, chunk):
    dt = table.dtype
    ncol = table.shape[1]
    """out[p] = table[idx[p]] via SC indirect-stream row gather.

    All 32 vector subcores each handle len(idx)/32 rows in double-buffered
    `chunk`-row pieces (HBM -> TileSpmem indirect gather, linear store
    back to HBM).
    """
    n = idx.shape[0]
    per_w = n // NW
    nch = per_w // chunk
    idx3 = idx.reshape(NW, nch, chunk)

    @functools.partial(
        pl.kernel,
        mesh=plsc.VectorSubcoreMesh(**_SC_MESH),
        out_type=jax.ShapeDtypeStruct((n, ncol), dt),
        scratch_types=[
            pltpu.VMEM((nch, chunk), jnp.int32),
            pltpu.VMEM((chunk, ncol), dt),
            pltpu.VMEM((chunk, ncol), dt),
            pltpu.SemaphoreType.DMA,
            pltpu.SemaphoreType.DMA,
        ],
    )
    def k(tab_hbm, idx_hbm, out_hbm, idx_v, buf0, buf1, sem0, sem1):
        wid = lax.axis_index("s") * NC + lax.axis_index("c")
        pltpu.sync_copy(idx_hbm.at[wid], idx_v)
        bufs = (buf0, buf1)
        sems = (sem0, sem1)
        cps = [pltpu.async_copy(tab_hbm.at[idx_v.at[c]], bufs[c], sems[c])
               for c in range(min(2, nch))]
        for c in range(nch):
            b = c % 2
            cps[b].wait()
            pltpu.sync_copy(
                bufs[b], out_hbm.at[pl.ds((wid * nch + c) * chunk, chunk)])
            if c + 2 < nch:
                cps[b] = pltpu.async_copy(
                    tab_hbm.at[idx_v.at[c + 2]], bufs[b], sems[b])

    return k(table, idx3)


def _add3_body(a_ref, b_ref, c_ref, o_ref):
    o_ref[...] = a_ref[...] + b_ref[...] + c_ref[...]


def _tc_add3(a, b, c):
    return pl.pallas_call(
        _add3_body,
        grid=(N_TOK_BLKS,),
        in_specs=[pl.BlockSpec((TOKEN_BLK, H), lambda i: (i, 0))] * 3,
        out_specs=pl.BlockSpec((TOKEN_BLK, H), lambda i: (i, 0)),
        out_shape=jax.ShapeDtypeStruct((S, H), jnp.float32),
    )(a, b, c)


def kernel(x, W_gate, expert_bias, Wg, Wu, Wd, Eg, Eu, Ed):
    tokens = x.reshape(S, H)
    shared, sel0, sel1, w0, w1 = _router_shared(
        tokens, W_gate, expert_bias.reshape(1, E), Wg, Wu, Wd)
    sel0 = sel0.reshape(S)
    sel1 = sel1.reshape(S)
    w0 = w0.reshape(S)
    w1 = w1.reshape(S)

    flat_e = jnp.stack([sel0, sel1], axis=1).reshape(-1)
    flat_w = jnp.stack([w0, w1], axis=1).reshape(-1)
    flat_t = jnp.arange(S * TOPK, dtype=jnp.int32) // TOPK
    onehot = (flat_e[:, None] == jnp.arange(E, dtype=jnp.int32)[None, :])
    cum = jnp.cumsum(onehot.astype(jnp.int32), axis=0)
    rank = jnp.take_along_axis(cum, flat_e[:, None], axis=1)[:, 0] - 1
    counts = cum[-1]
    tiles_per_e = (counts + T - 1) // T
    incl = jnp.cumsum(tiles_per_e)
    tile_off = incl - tiles_per_e
    used = incl[-1]
    pad_pos = (tile_off[flat_e] * T + rank).astype(jnp.int32)
    tile_ids = jnp.arange(N_TILES, dtype=jnp.int32)
    ss = jnp.minimum(jnp.searchsorted(incl, tile_ids, side='right'),
                     E - 1).astype(jnp.int32)
    last_e = jnp.minimum(jnp.searchsorted(incl, used - 1, side='right'),
                         E - 1).astype(jnp.int32)
    tile_expert = jnp.where(tile_ids < used, ss, last_e)
    row_src = (jnp.arange(P_MAX, dtype=jnp.int32) % S).at[pad_pos].set(
        flat_t)
    w_pad = jnp.zeros((P_MAX,), jnp.float32).at[pad_pos].set(flat_w)
    w_pad = w_pad.reshape(N_TILES, T, 1)
    inv = pad_pos.reshape(S, TOPK)

    x_rows = _sc_row_gather(tokens, row_src, GCH)

    y_pad = _grouped_mlp(tile_expert, x_rows, Eg, Eu, Ed, w_pad)

    y2 = _sc_row_gather(
        y_pad, jnp.concatenate([inv[:, 0], inv[:, 1]]), GCH)
    out = _tc_add3(shared, y2[:S], y2[S:])
    return out.reshape(1, S, H)

# --- scband reference (transcript-rebuilt; emitter-appended) ---
"""Pipeline reference for scband-afmoe-sparse-moe-block-38422777430201 (READ-ONLY COPY).

The authoritative reference and input builder live on the scoring server;
editing this copy changes nothing except your own understanding.
"""

import jax, jax.numpy as jnp
import numpy as np

B, S, H = 1, 2048, 1024
E, I, IS, K = 64, 512, 512, 2
ROUTE_SCALE = 1.0


def setup_inputs(seed: int = 0):
    key = jax.random.key(seed)
    ks = jax.random.split(key, 9)
    x = jax.random.normal(ks[0], (B, S, H), dtype=jnp.float32)
    W_gate = jax.random.normal(ks[1], (E, H), dtype=jnp.float32) * 0.02
    expert_bias = jnp.zeros((E,), dtype=jnp.float32)
    Wg = jax.random.normal(ks[2], (IS, H), dtype=jnp.float32) * 0.02
    Wu = jax.random.normal(ks[3], (IS, H), dtype=jnp.float32) * 0.02
    Wd = jax.random.normal(ks[4], (H, IS), dtype=jnp.float32) * 0.02
    Eg = jax.random.normal(ks[5], (E, H, I), dtype=jnp.float32) * 0.02
    Eu = jax.random.normal(ks[6], (E, H, I), dtype=jnp.float32) * 0.02
    Ed = jax.random.normal(ks[7], (E, I, H), dtype=jnp.float32) * 0.02
    return {"x": x, "W_gate": W_gate, "expert_bias": expert_bias, "Wg": Wg, "Wu": Wu, "Wd": Wd, "Eg": Eg, "Eu": Eu, "Ed": Ed}


def reference(x, W_gate, expert_bias, Wg, Wu, Wd, Eg, Eu, Ed):
    tokens = x.reshape(-1, H)
    # ---- AfmoeTokenChoiceRouter ----
    router_logits = (tokens @ W_gate.T).astype(jnp.float32)
    scores = jax.nn.sigmoid(router_logits)
    _, selected_experts = jax.lax.top_k(scores + expert_bias[None, :], K)
    top_scores = jnp.take_along_axis(scores, selected_experts, axis=1)
    denominator = jnp.sum(top_scores, axis=-1, keepdims=True) + 1e-20
    top_scores = (top_scores / denominator) * ROUTE_SCALE
    # ---- shared experts (SwiGLU MLP, intermediate = moe_intermediate_size * num_shared_experts) ----
    shared = (jax.nn.silu(tokens @ Wg.T) * (tokens @ Wu.T)) @ Wd.T
    # ---- routed experts: gather tokens per expert, expert MLP, weighted scatter-add ----
    routed = jnp.zeros_like(tokens)
    for e in range(E):
        match = selected_experts == e
        w = jnp.sum(jnp.where(match, top_scores, 0.0), axis=-1, keepdims=True)
        ye = (jax.nn.silu(tokens @ Eg[e]) * (tokens @ Eu[e])) @ Ed[e]
        routed = routed + w * ye
    return (shared + routed).reshape(B, S, H)

if __name__ == "__main__":
    import jax
    _d = setup_inputs()
    print(jax.jit(kernel)(*tuple(_d.values())))

</pallas_src>

<mosaic_0001>
#map = affine_map<(d0, d1) -> (0, 0)>
#map1 = affine_map<(d0, d1) -> (0, 0, 0)>
module attributes {stable_mosaic.version = 14 : i64} {
  func.func @k(%arg0: i32, %arg1: i32, %arg2: memref<2048x1024xf32, #tpu.memory_space<hbm>>, %arg3: memref<32x8x32xi32, #tpu.memory_space<hbm>>, %arg4: memref<8192x1024xf32, #tpu.memory_space<hbm>>, %arg5: memref<8x32xi32, #tpu.memory_space<vmem>>, %arg6: memref<32x1024xf32, #tpu.memory_space<vmem>>, %arg7: memref<32x1024xf32, #tpu.memory_space<vmem>>, %arg8: memref<!tpu.dma_semaphore, #tpu.memory_space<semaphore_mem>>, %arg9: memref<!tpu.dma_semaphore, #tpu.memory_space<semaphore_mem>>) attributes {dimension_semantics = [#tpu.dimension_semantics<core_parallel>, #tpu.dimension_semantics<subcore_parallel>], iteration_bounds = array<i64: 2, 16>, scalar_prefetch = 0 : i64, scratch_operands = 5 : i64, tpu.core_type = #tpu.core_type<sc_vector_subcore>, window_params = [{transform_indices = #map}, {transform_indices = #map1}, {transform_indices = #map}]} {
    %mul3A = arith.constant 2 : i32
    %mul3A_0 = arith.muli %arg1, %mul3A : i32
    %add3A = arith.addi %mul3A_0, %arg0 : i32
    "tpu.region"() ({
      %run_scoped3A = tpu.sem_alloc : memref<!tpu.dma_semaphore, #tpu.memory_space<semaphore_mem>>
      %dma_start3A_159 = arith.constant 0 : i32
      %dma_start3A_160 = arith.constant 0 : i32
      %dma_start3A_161 = tpu.memref_slice %arg3[%add3A, %dma_start3A_159, %dma_start3A_160] : memref<32x8x32xi32, #tpu.memory_space<hbm>> -> memref<1x8x32xi32, #tpu.memory_space<hbm>>
      %dma_start3A_162 = tpu.memref_squeeze %dma_start3A_161 : memref<1x8x32xi32, #tpu.memory_space<hbm>> -> memref<8x32xi32, #tpu.memory_space<hbm>>
      %dma_start3A_163 = arith.constant 0 : i32
      %dma_start3A_164 = arith.constant 0 : i32
      %dma_start3A_165 = tpu.memref_slice %arg3[%add3A, %dma_start3A_163, %dma_start3A_164] : memref<32x8x32xi32, #tpu.memory_space<hbm>> -> memref<1x8x32xi32, #tpu.memory_space<hbm>>
      %dma_start3A_166 = tpu.memref_squeeze %dma_start3A_165 : memref<1x8x32xi32, #tpu.memory_space<hbm>> -> memref<8x32xi32, #tpu.memory_space<hbm>>
      tpu.enqueue_dma source(%dma_start3A_166 : memref<8x32xi32, #tpu.memory_space<hbm>>) target(%arg5 : memref<8x32xi32, #tpu.memory_space<vmem>>) target_semaphore(%run_scoped3A : memref<!tpu.dma_semaphore, #tpu.memory_space<semaphore_mem>>)
      %dma_wait3A_167 = arith.constant 0 : i32
      %dma_wait3A_168 = arith.constant 0 : i32
      %dma_wait3A_169 = tpu.memref_slice %arg3[%add3A, %dma_wait3A_167, %dma_wait3A_168] : memref<32x8x32xi32, #tpu.memory_space<hbm>> -> memref<1x8x32xi32, #tpu.memory_space<hbm>>
      %dma_wait3A_170 = tpu.memref_squeeze %dma_wait3A_169 : memref<1x8x32xi32, #tpu.memory_space<hbm>> -> memref<8x32xi32, #tpu.memory_space<hbm>>
      %dma_wait3A_171 = arith.constant 0 : i32
      %dma_wait3A_172 = arith.constant 0 : i32
      %dma_wait3A_173 = tpu.memref_slice %arg3[%add3A, %dma_wait3A_171, %dma_wait3A_172] : memref<32x8x32xi32, #tpu.memory_space<hbm>> -> memref<1x8x32xi32, #tpu.memory_space<hbm>>
      %dma_wait3A_174 = tpu.memref_squeeze %dma_wait3A_173 : memref<1x8x32xi32, #tpu.memory_space<hbm>> -> memref<8x32xi32, #tpu.memory_space<hbm>>
      tpu.wait_dma2 semaphore(%run_scoped3A : memref<!tpu.dma_semaphore, #tpu.memory_space<semaphore_mem>>) src(%dma_wait3A_174 : memref<8x32xi32, #tpu.memory_space<hbm>>) dst(%arg5 : memref<8x32xi32, #tpu.memory_space<vmem>>)
      tpu.yield
    }) : () -> ()
    %dma_start3A = arith.constant 0 : i32
    %dma_start3A_1 = arith.constant 0 : i32
    %dma_start3A_2 = tpu.memref_slice %arg5[%dma_start3A, %dma_start3A_1] : memref<8x32xi32, #tpu.memory_space<vmem>> -> memref<1x32xi32, #tpu.memory_space<vmem>>
    %dma_start3A_3 = tpu.memref_squeeze %dma_start3A_2 : memref<1x32xi32, #tpu.memory_space<vmem>> -> memref<32xi32, #tpu.memory_space<vmem>>
    %dma_start3A_4 = arith.constant 0 : i32
    %dma_start3A_5 = arith.constant 0 : i32
    %dma_start3A_6 = tpu.memref_slice %arg2[%dma_start3A_4, %dma_start3A_5] : memref<2048x1024xf32, #tpu.memory_space<hbm>> -> memref<2048x1024xf32, #tpu.memory_space<hbm>>
    tpu.enqueue_indirect_dma source(%dma_start3A_6 : memref<2048x1024xf32, #tpu.memory_space<hbm>>) target(%arg6 : memref<32x1024xf32, #tpu.memory_space<vmem>>) offsets(%dma_start3A_3 : memref<32xi32, #tpu.memory_space<vmem>>) semaphore(%arg8 : memref<!tpu.dma_semaphore, #tpu.memory_space<semaphore_mem>>)
    %dma_start3A_7 = arith.constant 1 : i32
    %dma_start3A_8 = arith.constant 0 : i32
    %dma_start3A_9 = tpu.memref_slice %arg5[%dma_start3A_7, %dma_start3A_8] : memref<8x32xi32, #tpu.memory_space<vmem>> -> memref<1x32xi32, #tpu.memory_space<vmem>>
    %dma_start3A_10 = tpu.memref_squeeze %dma_start3A_9 : memref<1x32xi32, #tpu.memory_space<vmem>> -> memref<32xi32, #tpu.memory_space<vmem>>
    %dma_start3A_11 = arith.constant 0 : i32
    %dma_start3A_12 = arith.constant 0 : i32
    %dma_start3A_13 = tpu.memref_slice %arg2[%dma_start3A_11, %dma_start3A_12] : memref<2048x1024xf32, #tpu.memory_space<hbm>> -> memref<2048x1024xf32, #tpu.memory_space<hbm>>
    tpu.enqueue_indirect_dma source(%dma_start3A_13 : memref<2048x1024xf32, #tpu.memory_space<hbm>>) target(%arg7 : memref<32x1024xf32, #tpu.memory_space<vmem>>) offsets(%dma_start3A_10 : memref<32xi32, #tpu.memory_space<vmem>>) semaphore(%arg9 : memref<!tpu.dma_semaphore, #tpu.memory_space<semaphore_mem>>)
    %dma_wait3A = arith.constant 0 : i32
    %dma_wait3A_14 = arith.constant 0 : i32
    %dma_wait3A_15 = tpu.memref_slice %arg5[%dma_wait3A, %dma_wait3A_14] : memref<8x32xi32, #tpu.memory_space<vmem>> -> memref<1x32xi32, #tpu.memory_space<vmem>>
    %dma_wait3A_16 = tpu.memref_squeeze %dma_wait3A_15 : memref<1x32xi32, #tpu.memory_space<vmem>> -> memref<32xi32, #tpu.memory_space<vmem>>
    %dma_wait3A_17 = arith.constant 0 : i32
    %dma_wait3A_18 = arith.constant 0 : i32
    %dma_wait3A_19 = tpu.memref_slice %arg2[%dma_wait3A_17, %dma_wait3A_18] : memref<2048x1024xf32, #tpu.memory_space<hbm>> -> memref<2048x1024xf32, #tpu.memory_space<hbm>>
    tpu.wait_indirect_dma semaphore(%arg8 : memref<!tpu.dma_semaphore, #tpu.memory_space<semaphore_mem>>) src(%dma_wait3A_19 : memref<2048x1024xf32, #tpu.memory_space<hbm>>) dst(%arg6 : memref<32x1024xf32, #tpu.memory_space<vmem>>)
    %mul3A_20 = arith.constant 8 : i32
    %mul3A_21 = arith.muli %add3A, %mul3A_20 : i32
    %add3A_22 = arith.constant 0 : i32
    %add3A_23 = arith.addi %mul3A_21, %add3A_22 : i32
    %mul3A_24 = arith.constant 32 : i32
    %mul3A_25 = arith.muli %add3A_23, %mul3A_24 : i32
    "tpu.region"() ({
      %run_scoped3A = tpu.sem_alloc : memref<!tpu.dma_semaphore, #tpu.memory_space<semaphore_mem>>
      %dma_start3A_159 = arith.constant 0 : i32
      %dma_start3A_160 = tpu.memref_slice %arg4[%mul3A_25, %dma_start3A_159] : memref<8192x1024xf32, #tpu.memory_space<hbm>> -> memref<32x1024xf32, #tpu.memory_space<hbm>>
      %dma_start3A_161 = arith.constant 0 : i32
      %dma_start3A_162 = tpu.memref_slice %arg4[%mul3A_25, %dma_start3A_161] : memref<8192x1024xf32, #tpu.memory_space<hbm>> -> memref<32x1024xf32, #tpu.memory_space<hbm>>
      tpu.enqueue_dma source(%arg6 : memref<32x1024xf32, #tpu.memory_space<vmem>>) target(%dma_start3A_162 : memref<32x1024xf32, #tpu.memory_space<hbm>>) target_semaphore(%run_scoped3A : memref<!tpu.dma_semaphore, #tpu.memory_space<semaphore_mem>>)
      %dma_wait3A_163 = arith.constant 0 : i32
      %dma_wait3A_164 = tpu.memref_slice %arg4[%mul3A_25, %dma_wait3A_163] : memref<8192x1024xf32, #tpu.memory_space<hbm>> -> memref<32x1024xf32, #tpu.memory_space<hbm>>
      %dma_wait3A_165 = arith.constant 0 : i32
      %dma_wait3A_166 = tpu.memref_slice %arg4[%mul3A_25, %dma_wait3A_165] : memref<8192x1024xf32, #tpu.memory_space<hbm>> -> memref<32x1024xf32, #tpu.memory_space<hbm>>
      tpu.wait_dma2 semaphore(%run_scoped3A : memref<!tpu.dma_semaphore, #tpu.memory_space<semaphore_mem>>) src(%arg6 : memref<32x1024xf32, #tpu.memory_space<vmem>>) dst(%dma_wait3A_166 : memref<32x1024xf32, #tpu.memory_space<hbm>>)
      tpu.yield
    }) : () -> ()
    %dma_start3A_26 = arith.constant 2 : i32
    %dma_start3A_27 = arith.constant 0 : i32
    %dma_start3A_28 = tpu.memref_slice %arg5[%dma_start3A_26, %dma_start3A_27] : memref<8x32xi32, #tpu.memory_space<vmem>> -> memref<1x32xi32, #tpu.memory_space<vmem>>
    %dma_start3A_29 = tpu.memref_squeeze %dma_start3A_28 : memref<1x32xi32, #tpu.memory_space<vmem>> -> memref<32xi32, #tpu.memory_space<vmem>>
    %dma_start3A_30 = arith.constant 0 : i32
    %dma_start3A_31 = arith.constant 0 : i32
    %dma_start3A_32 = tpu.memref_slice %arg2[%dma_start3A_30, %dma_start3A_31] : memref<2048x1024xf32, #tpu.memory_space<hbm>> -> memref<2048x1024xf32, #tpu.memory_space<hbm>>
    tpu.enqueue_indirect_dma source(%dma_start3A_32 : memref<2048x1024xf32, #tpu.memory_space<hbm>>) target(%arg6 : memref<32x1024xf32, #tpu.memory_space<vmem>>) offsets(%dma_start3A_29 : memref<32xi32, #tpu.memory_space<vmem>>) semaphore(%arg8 : memref<!tpu.dma_semaphore, #tpu.memory_space<semaphore_mem>>)
    %dma_wait3A_33 = arith.constant 1 : i32
    %dma_wait3A_34 = arith.constant 0 : i32
    %dma_wait3A_35 = tpu.memref_slice %arg5[%dma_wait3A_33, %dma_wait3A_34] : memref<8x32xi32, #tpu.memory_space<vmem>> -> memref<1x32xi32, #tpu.memory_space<vmem>>
    %dma_wait3A_36 = tpu.memref_squeeze %dma_wait3A_35 : memref<1x32xi32, #tpu.memory_space<vmem>> -> memref<32xi32, #tpu.memory_space<vmem>>
    %dma_wait3A_37 = arith.constant 0 : i32
    %dma_wait3A_38 = arith.constant 0 : i32
    %dma_wait3A_39 = tpu.memref_slice %arg2[%dma_wait3A_37, %dma_wait3A_38] : memref<2048x1024xf32, #tpu.memory_space<hbm>> -> memref<2048x1024xf32, #tpu.memory_space<hbm>>
    tpu.wait_indirect_dma semaphore(%arg9 : memref<!tpu.dma_semaphore, #tpu.memory_space<semaphore_mem>>) src(%dma_wait3A_39 : memref<2048x1024xf32, #tpu.memory_space<hbm>>) dst(%arg7 : memref<32x1024xf32, #tpu.memory_space<vmem>>)
    %mul3A_40 = arith.constant 8 : i32
    %mul3A_41 = arith.muli %add3A, %mul3A_40 : i32
    %add3A_42 = arith.constant 1 : i32
    %add3A_43 = arith.addi %mul3A_41, %add3A_42 : i32
    %mul3A_44 = arith.constant 32 : i32
    %mul3A_45 = arith.muli %add3A_43, %mul3A_44 : i32
    "tpu.region"() ({
      %run_scoped3A = tpu.sem_alloc : memref<!tpu.dma_semaphore, #tpu.memory_space<semaphore_mem>>
      %dma_start3A_159 = arith.constant 0 : i32
      %dma_start3A_160 = tpu.memref_slice %arg4[%mul3A_45, %dma_start3A_159] : memref<8192x1024xf32, #tpu.memory_space<hbm>> -> memref<32x1024xf32, #tpu.memory_space<hbm>>
      %dma_start3A_161 = arith.constant 0 : i32
      %dma_start3A_162 = tpu.memref_slice %arg4[%mul3A_45, %dma_start3A_161] : memref<8192x1024xf32, #tpu.memory_space<hbm>> -> memref<32x1024xf32, #tpu.memory_space<hbm>>
      tpu.enqueue_dma source(%arg7 : memref<32x1024xf32, #tpu.memory_space<vmem>>) target(%dma_start3A_162 : memref<32x1024xf32, #tpu.memory_space<hbm>>) target_semaphore(%run_scoped3A : memref<!tpu.dma_semaphore, #tpu.memory_space<semaphore_mem>>)
      %dma_wait3A_163 = arith.constant 0 : i32
      %dma_wait3A_164 = tpu.memref_slice %arg4[%mul3A_45, %dma_wait3A_163] : memref<8192x1024xf32, #tpu.memory_space<hbm>> -> memref<32x1024xf32, #tpu.memory_space<hbm>>
      %dma_wait3A_165 = arith.constant 0 : i32
      %dma_wait3A_166 = tpu.memref_slice %arg4[%mul3A_45, %dma_wait3A_165] : memref<8192x1024xf32, #tpu.memory_space<hbm>> -> memref<32x1024xf32, #tpu.memory_space<hbm>>
      tpu.wait_dma2 semaphore(%run_scoped3A : memref<!tpu.dma_semaphore, #tpu.memory_space<semaphore_mem>>) src(%arg7 : memref<32x1024xf32, #tpu.memory_space<vmem>>) dst(%dma_wait3A_166 : memref<32x1024xf32, #tpu.memory_space<hbm>>)
      tpu.yield
    }) : () -> ()
    %dma_start3A_46 = arith.constant 3 : i32
    %dma_start3A_47 = arith.constant 0 : i32
    %dma_start3A_48 = tpu.memref_slice %arg5[%dma_start3A_46, %dma_start3A_47] : memref<8x32xi32, #tpu.memory_space<vmem>> -> memref<1x32xi32, #tpu.memory_space<vmem>>
    %dma_start3A_49 = tpu.memref_squeeze %dma_start3A_48 : memref<1x32xi32, #tpu.memory_space<vmem>> -> memref<32xi32, #tpu.memory_space<vmem>>
    %dma_start3A_50 = arith.constant 0 : i32
    %dma_start3A_51 = arith.constant 0 : i32
    %dma_start3A_52 = tpu.memref_slice %arg2[%dma_start3A_50, %dma_start3A_51] : memref<2048x1024xf32, #tpu.memory_space<hbm>> -> memref<2048x1024xf32, #tpu.memory_space<hbm>>
    tpu.enqueue_indirect_dma source(%dma_start3A_52 : memref<2048x1024xf32, #tpu.memory_space<hbm>>) target(%arg7 : memref<32x1024xf32, #tpu.memory_space<vmem>>) offsets(%dma_start3A_49 : memref<32xi32, #tpu.memory_space<vmem>>) semaphore(%arg9 : memref<!tpu.dma_semaphore, #tpu.memory_space<semaphore_mem>>)
    %dma_wait3A_53 = arith.constant 2 : i32
    %dma_wait3A_54 = arith.constant 0 : i32
    %dma_wait3A_55 = tpu.memref_slice %arg5[%dma_wait3A_53, %dma_wait3A_54] : memref<8x32xi32, #tpu.memory_space<vmem>> -> memref<1x32xi32, #tpu.memory_space<vmem>>
    %dma_wait3A_56 = tpu.memref_squeeze %dma_wait3A_55 : memref<1x32xi32, #tpu.memory_space<vmem>> -> memref<32xi32, #tpu.memory_space<vmem>>
    %dma_wait3A_57 = arith.constant 0 : i32
    %dma_wait3A_58 = arith.constant 0 : i32
    %dma_wait3A_59 = tpu.memref_slice %arg2[%dma_wait3A_57, %dma_wait3A_58] : memref<2048x1024xf32, #tpu.memory_space<hbm>> -> memref<2048x1024xf32, #tpu.memory_space<hbm>>
    tpu.wait_indirect_dma semaphore(%arg8 : memref<!tpu.dma_semaphore, #tpu.memory_space<semaphore_mem>>) src(%dma_wait3A_59 : memref<2048x1024xf32, #tpu.memory_space<hbm>>) dst(%arg6 : memref<32x1024xf32, #tpu.memory_space<vmem>>)
    %mul3A_60 = arith.constant 8 : i32
    %mul3A_61 = arith.muli %add3A, %mul3A_60 : i32
    %add3A_62 = arith.constant 2 : i32
    %add3A_63 = arith.addi %mul3A_61, %add3A_62 : i32
    %mul3A_64 = arith.constant 32 : i32
    %mul3A_65 = arith.muli %add3A_63, %mul3A_64 : i32
    "tpu.region"() ({
      %run_scoped3A = tpu.sem_alloc : memref<!tpu.dma_semaphore, #tpu.memory_space<semaphore_mem>>
      %dma_start3A_159 = arith.constant 0 : i32
      %dma_start3A_160 = tpu.memref_slice %arg4[%mul3A_65, %dma_start3A_159] : memref<8192x1024xf32, #tpu.memory_space<hbm>> -> memref<32x1024xf32, #tpu.memory_space<hbm>>
      %dma_start3A_161 = arith.constant 0 : i32
      %dma_start3A_162 = tpu.memref_slice %arg4[%mul3A_65, %dma_start3A_161] : memref<8192x1024xf32, #tpu.memory_space<hbm>> -> memref<32x1024xf32, #tpu.memory_space<hbm>>
      tpu.enqueue_dma source(%arg6 : memref<32x1024xf32, #tpu.memory_space<vmem>>) target(%dma_start3A_162 : memref<32x1024xf32, #tpu.memory_space<hbm>>) target_semaphore(%run_scoped3A : memref<!tpu.dma_semaphore, #tpu.memory_space<semaphore_mem>>)
      %dma_wait3A_163 = arith.constant 0 : i32
      %dma_wait3A_164 = tpu.memref_slice %arg4[%mul3A_65, %dma_wait3A_163] : memref<8192x1024xf32, #tpu.memory_space<hbm>> -> memref<32x1024xf32, #tpu.memory_space<hbm>>
      %dma_wait3A_165 = arith.constant 0 : i32
      %dma_wait3A_166 = tpu.memref_slice %arg4[%mul3A_65, %dma_wait3A_165] : memref<8192x1024xf32, #tpu.memory_space<hbm>> -> memref<32x1024xf32, #tpu.memory_space<hbm>>
      tpu.wait_dma2 semaphore(%run_scoped3A : memref<!tpu.dma_semaphore, #tpu.memory_space<semaphore_mem>>) src(%arg6 : memref<32x1024xf32, #tpu.memory_space<vmem>>) dst(%dma_wait3A_166 : memref<32x1024xf32, #tpu.memory_space<hbm>>)
      tpu.yield
    }) : () -> ()
    %dma_start3A_66 = arith.constant 4 : i32
    %dma_start3A_67 = arith.constant 0 : i32
    %dma_start3A_68 = tpu.memref_slice %arg5[%dma_start3A_66, %dma_start3A_67] : memref<8x32xi32, #tpu.memory_space<vmem>> -> memref<1x32xi32, #tpu.memory_space<vmem>>
    %dma_start3A_69 = tpu.memref_squeeze %dma_start3A_68 : memref<1x32xi32, #tpu.memory_space<vmem>> -> memref<32xi32, #tpu.memory_space<vmem>>
    %dma_start3A_70 = arith.constant 0 : i32
    %dma_start3A_71 = arith.constant 0 : i32
    %dma_start3A_72 = tpu.memref_slice %arg2[%dma_start3A_70, %dma_start3A_71] : memref<2048x1024xf32, #tpu.memory_space<hbm>> -> memref<2048x1024xf32, #tpu.memory_space<hbm>>
    tpu.enqueue_indirect_dma source(%dma_start3A_72 : memref<2048x1024xf32, #tpu.memory_space<hbm>>) target(%arg6 : memref<32x1024xf32, #tpu.memory_space<vmem>>) offsets(%dma_start3A_69 : memref<32xi32, #tpu.memory_space<vmem>>) semaphore(%arg8 : memref<!tpu.dma_semaphore, #tpu.memory_space<semaphore_mem>>)
    %dma_wait3A_73 = arith.constant 3 : i32
    %dma_wait3A_74 = arith.constant 0 : i32
    %dma_wait3A_75 = tpu.memref_slice %arg5[%dma_wait3A_73, %dma_wait3A_74] : memref<8x32xi32, #tpu.memory_space<vmem>> -> memref<1x32xi32, #tpu.memory_space<vmem>>
    %dma_wait3A_76 = tpu.memref_squeeze %dma_wait3A_75 : memref<1x32xi32, #tpu.memory_space<vmem>> -> memref<32xi32, #tpu.memory_space<vmem>>
    %dma_wait3A_77 = arith.constant 0 : i32
    %dma_wait3A_78 = arith.constant 0 : i32
    %dma_wait3A_79 = tpu.memref_slice %arg2[%dma_wait3A_77, %dma_wait3A_78] : memref<2048x1024xf32, #tpu.memory_space<hbm>> -> memref<2048x1024xf32, #tpu.memory_space<hbm>>
    tpu.wait_indirect_dma semaphore(%arg9 : memref<!tpu.dma_semaphore, #tpu.memory_space<semaphore_mem>>) src(%dma_wait3A_79 : memref<2048x1024xf32, #tpu.memory_space<hbm>>) dst(%arg7 : memref<32x1024xf32, #tpu.memory_space<vmem>>)
    %mul3A_80 = arith.constant 8 : i32
    %mul3A_81 = arith.muli %add3A, %mul3A_80 : i32
    %add3A_82 = arith.constant 3 : i32
    %add3A_83 = arith.addi %mul3A_81, %add3A_82 : i32
    %mul3A_84 = arith.constant 32 : i32
    %mul3A_85 = arith.muli %add3A_83, %mul3A_84 : i32
    "tpu.region"() ({
      %run_scoped3A = tpu.sem_alloc : memref<!tpu.dma_semaphore, #tpu.memory_space<semaphore_mem>>
      %dma_start3A_159 = arith.constant 0 : i32
      %dma_start3A_160 = tpu.memref_slice %arg4[%mul3A_85, %dma_start3A_159] : memref<8192x1024xf32, #tpu.memory_space<hbm>> -> memref<32x1024xf32, #tpu.memory_space<hbm>>
      %dma_start3A_161 = arith.constant 0 : i32
      %dma_start3A_162 = tpu.memref_slice %arg4[%mul3A_85, %dma_start3A_161] : memref<8192x1024xf32, #tpu.memory_space<hbm>> -> memref<32x1024xf32, #tpu.memory_space<hbm>>
      tpu.enqueue_dma source(%arg7 : memref<32x1024xf32, #tpu.memory_space<vmem>>) target(%dma_start3A_162 : memref<32x1024xf32, #tpu.memory_space<hbm>>) target_semaphore(%run_scoped3A : memref<!tpu.dma_semaphore, #tpu.memory_space<semaphore_mem>>)
      %dma_wait3A_163 = arith.constant 0 : i32
      %dma_wait3A_164 = tpu.memref_slice %arg4[%mul3A_85, %dma_wait3A_163] : memref<8192x1024xf32, #tpu.memory_space<hbm>> -> memref<32x1024xf32, #tpu.memory_space<hbm>>
      %dma_wait3A_165 = arith.constant 0 : i32
      %dma_wait3A_166 = tpu.memref_slice %arg4[%mul3A_85, %dma_wait3A_165] : memref<8192x1024xf32, #tpu.memory_space<hbm>> -> memref<32x1024xf32, #tpu.memory_space<hbm>>
      tpu.wait_dma2 semaphore(%run_scoped3A : memref<!tpu.dma_semaphore, #tpu.memory_space<semaphore_mem>>) src(%arg7 : memref<32x1024xf32, #tpu.memory_space<vmem>>) dst(%dma_wait3A_166 : memref<32x1024xf32, #tpu.memory_space<hbm>>)
      tpu.yield
    }) : () -> ()
    %dma_start3A_86 = arith.constant 5 : i32
    %dma_start3A_87 = arith.constant 0 : i32
    %dma_start3A_88 = tpu.memref_slice %arg5[%dma_start3A_86, %dma_start3A_87] : memref<8x32xi32, #tpu.memory_space<vmem>> -> memref<1x32xi32, #tpu.memory_space<vmem>>
    %dma_start3A_89 = tpu.memref_squeeze %dma_start3A_88 : memref<1x32xi32, #tpu.memory_space<vmem>> -> memref<32xi32, #tpu.memory_space<vmem>>
    %dma_start3A_90 = arith.constant 0 : i32
    %dma_start3A_91 = arith.constant 0 : i32
    %dma_start3A_92 = tpu.memref_slice %arg2[%dma_start3A_90, %dma_start3A_91] : memref<2048x1024xf32, #tpu.memory_space<hbm>> -> memref<2048x1024xf32, #tpu.memory_space<hbm>>
    tpu.enqueue_indirect_dma source(%dma_start3A_92 : memref<2048x1024xf32, #tpu.memory_space<hbm>>) target(%arg7 : memref<32x1024xf32, #tpu.memory_space<vmem>>) offsets(%dma_start3A_89 : memref<32xi32, #tpu.memory_space<vmem>>) semaphore(%arg9 : memref<!tpu.dma_semaphore, #tpu.memory_space<semaphore_mem>>)
    %dma_wait3A_93 = arith.constant 4 : i32
    %dma_wait3A_94 = arith.constant 0 : i32
    %dma_wait3A_95 = tpu.memref_slice %arg5[%dma_wait3A_93, %dma_wait3A_94] : memref<8x32xi32, #tpu.memory_space<vmem>> -> memref<1x32xi32, #tpu.memory_space<vmem>>
    %dma_wait3A_96 = tpu.memref_squeeze %dma_wait3A_95 : memref<1x32xi32, #tpu.memory_space<vmem>> -> memref<32xi32, #tpu.memory_space<vmem>>
    %dma_wait3A_97 = arith.constant 0 : i32
    %dma_wait3A_98 = arith.constant 0 : i32
    %dma_wait3A_99 = tpu.memref_slice %arg2[%dma_wait3A_97, %dma_wait3A_98] : memref<2048x1024xf32, #tpu.memory_space<hbm>> -> memref<2048x1024xf32, #tpu.memory_space<hbm>>
    tpu.wait_indirect_dma semaphore(%arg8 : memref<!tpu.dma_semaphore, #tpu.memory_space<semaphore_mem>>) src(%dma_wait3A_99 : memref<2048x1024xf32, #tpu.memory_space<hbm>>) dst(%arg6 : memref<32x1024xf32, #tpu.memory_space<vmem>>)
    %mul3A_100 = arith.constant 8 : i32
    %mul3A_101 = arith.muli %add3A, %mul3A_100 : i32
    %add3A_102 = arith.constant 4 : i32
    %add3A_103 = arith.addi %mul3A_101, %add3A_102 : i32
    %mul3A_104 = arith.constant 32 : i32
    %mul3A_105 = arith.muli %add3A_103, %mul3A_104 : i32
    "tpu.region"() ({
      %run_scoped3A = tpu.sem_alloc : memref<!tpu.dma_semaphore, #tpu.memory_space<semaphore_mem>>
      %dma_start3A_159 = arith.constant 0 : i32
      %dma_start3A_160 = tpu.memref_slice %arg4[%mul3A_105, %dma_start3A_159] : memref<8192x1024xf32, #tpu.memory_space<hbm>> -> memref<32x1024xf32, #tpu.memory_space<hbm>>
      %dma_start3A_161 = arith.constant 0 : i32
      %dma_start3A_162 = tpu.memref_slice %arg4[%mul3A_105, %dma_start3A_161] : memref<8192x1024xf32, #tpu.memory_space<hbm>> -> memref<32x1024xf32, #tpu.memory_space<hbm>>
      tpu.enqueue_dma source(%arg6 : memref<32x1024xf32, #tpu.memory_space<vmem>>) target(%dma_start3A_162 : memref<32x1024xf32, #tpu.memory_space<hbm>>) target_semaphore(%run_scoped3A : memref<!tpu.dma_semaphore, #tpu.memory_space<semaphore_mem>>)
      %dma_wait3A_163 = arith.constant 0 : i32
      %dma_wait3A_164 = tpu.memref_slice %arg4[%mul3A_105, %dma_wait3A_163] : memref<8192x1024xf32, #tpu.memory_space<hbm>> -> memref<32x1024xf32, #tpu.memory_space<hbm>>
      %dma_wait3A_165 = arith.constant 0 : i32
      %dma_wait3A_166 = tpu.memref_slice %arg4[%mul3A_105, %dma_wait3A_165] : memref<8192x1024xf32, #tpu.memory_space<hbm>> -> memref<32x1024xf32, #tpu.memory_space<hbm>>
      tpu.wait_dma2 semaphore(%run_scoped3A : memref<!tpu.dma_semaphore, #tpu.memory_space<semaphore_mem>>) src(%arg6 : memref<32x1024xf32, #tpu.memory_space<vmem>>) dst(%dma_wait3A_166 : memref<32x1024xf32, #tpu.memory_space<hbm>>)
      tpu.yield
    }) : () -> ()
    %dma_start3A_106 = arith.constant 6 : i32
    %dma_start3A_107 = arith.constant 0 : i32
    %dma_start3A_108 = tpu.memref_slice %arg5[%dma_start3A_106, %dma_start3A_107] : memref<8x32xi32, #tpu.memory_space<vmem>> -> memref<1x32xi32, #tpu.memory_space<vmem>>
    %dma_start3A_109 = tpu.memref_squeeze %dma_start3A_108 : memref<1x32xi32, #tpu.memory_space<vmem>> -> memref<32xi32, #tpu.memory_space<vmem>>
    %dma_start3A_110 = arith.constant 0 : i32
    %dma_start3A_111 = arith.constant 0 : i32
    %dma_start3A_112 = tpu.memref_slice %arg2[%dma_start3A_110, %dma_start3A_111] : memref<2048x1024xf32, #tpu.memory_space<hbm>> -> memref<2048x1024xf32, #tpu.memory_space<hbm>>
    tpu.enqueue_indirect_dma source(%dma_start3A_112 : memref<2048x1024xf32, #tpu.memory_space<hbm>>) target(%arg6 : memref<32x1024xf32, #tpu.memory_space<vmem>>) offsets(%dma_start3A_109 : memref<32xi32, #tpu.memory_space<vmem>>) semaphore(%arg8 : memref<!tpu.dma_semaphore, #tpu.memory_space<semaphore_mem>>)
    %dma_wait3A_113 = arith.constant 5 : i32
    %dma_wait3A_114 = arith.constant 0 : i32
    %dma_wait3A_115 = tpu.memref_slice %arg5[%dma_wait3A_113, %dma_wait3A_114] : memref<8x32xi32, #tpu.memory_space<vmem>> -> memref<1x32xi32, #tpu.memory_space<vmem>>
    %dma_wait3A_116 = tpu.memref_squeeze %dma_wait3A_115 : memref<1x32xi32, #tpu.memory_space<vmem>> -> memref<32xi32, #tpu.memory_space<vmem>>
    %dma_wait3A_117 = arith.constant 0 : i32
    %dma_wait3A_118 = arith.constant 0 : i32
    %dma_wait3A_119 = tpu.memref_slice %arg2[%dma_wait3A_117, %dma_wait3A_118] : memref<2048x1024xf32, #tpu.memory_space<hbm>> -> memref<2048x1024xf32, #tpu.memory_space<hbm>>
    tpu.wait_indirect_dma semaphore(%arg9 : memref<!tpu.dma_semaphore, #tpu.memory_space<semaphore_mem>>) src(%dma_wait3A_119 : memref<2048x1024xf32, #tpu.memory_space<hbm>>) dst(%arg7 : memref<32x1024xf32, #tpu.memory_space<vmem>>)
    %mul3A_120 = arith.constant 8 : i32
    %mul3A_121 = arith.muli %add3A, %mul3A_120 : i32
    %add3A_122 = arith.constant 5 : i32
    %add3A_123 = arith.addi %mul3A_121, %add3A_122 : i32
    %mul3A_124 = arith.constant 32 : i32
    %mul3A_125 = arith.muli %add3A_123, %mul3A_124 : i32
    "tpu.region"() ({
      %run_scoped3A = tpu.sem_alloc : memref<!tpu.dma_semaphore, #tpu.memory_space<semaphore_mem>>
      %dma_start3A_159 = arith.constant 0 : i32
      %dma_start3A_160 = tpu.memref_slice %arg4[%mul3A_125, %dma_start3A_159] : memref<8192x1024xf32, #tpu.memory_space<hbm>> -> memref<32x1024xf32, #tpu.memory_space<hbm>>
      %dma_start3A_161 = arith.constant 0 : i32
      %dma_start3A_162 = tpu.memref_slice %arg4[%mul3A_125, %dma_start3A_161] : memref<8192x1024xf32, #tpu.memory_space<hbm>> -> memref<32x1024xf32, #tpu.memory_space<hbm>>
      tpu.enqueue_dma source(%arg7 : memref<32x1024xf32, #tpu.memory_space<vmem>>) target(%dma_start3A_162 : memref<32x1024xf32, #tpu.memory_space<hbm>>) target_semaphore(%run_scoped3A : memref<!tpu.dma_semaphore, #tpu.memory_space<semaphore_mem>>)
      %dma_wait3A_163 = arith.constant 0 : i32
      %dma_wait3A_164 = tpu.memref_slice %arg4[%mul3A_125, %dma_wait3A_163] : memref<8192x1024xf32, #tpu.memory_space<hbm>> -> memref<32x1024xf32, #tpu.memory_space<hbm>>
      %dma_wait3A_165 = arith.constant 0 : i32
      %dma_wait3A_166 = tpu.memref_slice %arg4[%mul3A_125, %dma_wait3A_165] : memref<8192x1024xf32, #tpu.memory_space<hbm>> -> memref<32x1024xf32, #tpu.memory_space<hbm>>
      tpu.wait_dma2 semaphore(%run_scoped3A : memref<!tpu.dma_semaphore, #tpu.memory_space<semaphore_mem>>) src(%arg7 : memref<32x1024xf32, #tpu.memory_space<vmem>>) dst(%dma_wait3A_166 : memref<32x1024xf32, #tpu.memory_space<hbm>>)
      tpu.yield
    }) : () -> ()
    %dma_start3A_126 = arith.constant 7 : i32
    %dma_start3A_127 = arith.constant 0 : i32
    %dma_start3A_128 = tpu.memref_slice %arg5[%dma_start3A_126, %dma_start3A_127] : memref<8x32xi32, #tpu.memory_space<vmem>> -> memref<1x32xi32, #tpu.memory_space<vmem>>
    %dma_start3A_129 = tpu.memref_squeeze %dma_start3A_128 : memref<1x32xi32, #tpu.memory_space<vmem>> -> memref<32xi32, #tpu.memory_space<vmem>>
    %dma_start3A_130 = arith.constant 0 : i32
    %dma_start3A_131 = arith.constant 0 : i32
    %dma_start3A_132 = tpu.memref_slice %arg2[%dma_start3A_130, %dma_start3A_131] : memref<2048x1024xf32, #tpu.memory_space<hbm>> -> memref<2048x1024xf32, #tpu.memory_space<hbm>>
    tpu.enqueue_indirect_dma source(%dma_start3A_132 : memref<2048x1024xf32, #tpu.memory_space<hbm>>) target(%arg7 : memref<32x1024xf32, #tpu.memory_space<vmem>>) offsets(%dma_start3A_129 : memref<32xi32, #tpu.memory_space<vmem>>) semaphore(%arg9 : memref<!tpu.dma_semaphore, #tpu.memory_space<semaphore_mem>>)
    %dma_wait3A_133 = arith.constant 6 : i32
    %dma_wait3A_134 = arith.constant 0 : i32
    %dma_wait3A_135 = tpu.memref_slice %arg5[%dma_wait3A_133, %dma_wait3A_134] : memref<8x32xi32, #tpu.memory_space<vmem>> -> memref<1x32xi32, #tpu.memory_space<vmem>>
    %dma_wait3A_136 = tpu.memref_squeeze %dma_wait3A_135 : memref<1x32xi32, #tpu.memory_space<vmem>> -> memref<32xi32, #tpu.memory_space<vmem>>
    %dma_wait3A_137 = arith.constant 0 : i32
    %dma_wait3A_138 = arith.constant 0 : i32
    %dma_wait3A_139 = tpu.memref_slice %arg2[%dma_wait3A_137, %dma_wait3A_138] : memref<2048x1024xf32, #tpu.memory_space<hbm>> -> memref<2048x1024xf32, #tpu.memory_space<hbm>>
    tpu.wait_indirect_dma semaphore(%arg8 : memref<!tpu.dma_semaphore, #tpu.memory_space<semaphore_mem>>) src(%dma_wait3A_139 : memref<2048x1024xf32, #tpu.memory_space<hbm>>) dst(%arg6 : memref<32x1024xf32, #tpu.memory_space<vmem>>)
    %mul3A_140 = arith.constant 8 : i32
    %mul3A_141 = arith.muli %add3A, %mul3A_140 : i32
    %add3A_142 = arith.constant 6 : i32
    %add3A_143 = arith.addi %mul3A_141, %add3A_142 : i32
    %mul3A_144 = arith.constant 32 : i32
    %mul3A_145 = arith.muli %add3A_143, %mul3A_144 : i32
    "tpu.region"() ({
      %run_scoped3A = tpu.sem_alloc : memref<!tpu.dma_semaphore, #tpu.memory_space<semaphore_mem>>
      %dma_start3A_159 = arith.constant 0 : i32
      %dma_start3A_160 = tpu.memref_slice %arg4[%mul3A_145, %dma_start3A_159] : memref<8192x1024xf32, #tpu.memory_space<hbm>> -> memref<32x1024xf32, #tpu.memory_space<hbm>>
      %dma_start3A_161 = arith.constant 0 : i32
      %dma_start3A_162 = tpu.memref_slice %arg4[%mul3A_145, %dma_start3A_161] : memref<8192x1024xf32, #tpu.memory_space<hbm>> -> memref<32x1024xf32, #tpu.memory_space<hbm>>
      tpu.enqueue_dma source(%arg6 : memref<32x1024xf32, #tpu.memory_space<vmem>>) target(%dma_start3A_162 : memref<32x1024xf32, #tpu.memory_space<hbm>>) target_semaphore(%run_scoped3A : memref<!tpu.dma_semaphore, #tpu.memory_space<semaphore_mem>>)
      %dma_wait3A_163 = arith.constant 0 : i32
      %dma_wait3A_164 = tpu.memref_slice %arg4[%mul3A_145, %dma_wait3A_163] : memref<8192x1024xf32, #tpu.memory_space<hbm>> -> memref<32x1024xf32, #tpu.memory_space<hbm>>
      %dma_wait3A_165 = arith.constant 0 : i32
      %dma_wait3A_166 = tpu.memref_slice %arg4[%mul3A_145, %dma_wait3A_165] : memref<8192x1024xf32, #tpu.memory_space<hbm>> -> memref<32x1024xf32, #tpu.memory_space<hbm>>
      tpu.wait_dma2 semaphore(%run_scoped3A : memref<!tpu.dma_semaphore, #tpu.memory_space<semaphore_mem>>) src(%arg6 : memref<32x1024xf32, #tpu.memory_space<vmem>>) dst(%dma_wait3A_166 : memref<32x1024xf32, #tpu.memory_space<hbm>>)
      tpu.yield
    }) : () -> ()
    %dma_wait3A_146 = arith.constant 7 : i32
    %dma_wait3A_147 = arith.constant 0 : i32
    %dma_wait3A_148 = tpu.memref_slice %arg5[%dma_wait3A_146, %dma_wait3A_147] : memref<8x32xi32, #tpu.memory_space<vmem>> -> memref<1x32xi32, #tpu.memory_space<vmem>>
    %dma_wait3A_149 = tpu.memref_squeeze %dma_wait3A_148 : memref<1x32xi32, #tpu.memory_space<vmem>> -> memref<32xi32, #tpu.memory_space<vmem>>
    %dma_wait3A_150 = arith.constant 0 : i32
    %dma_wait3A_151 = arith.constant 0 : i32
    %dma_wait3A_152 = tpu.memref_slice %arg2[%dma_wait3A_150, %dma_wait3A_151] : memref<2048x1024xf32, #tpu.memory_space<hbm>> -> memref<2048x1024xf32, #tpu.memory_space<hbm>>
    tpu.wait_indirect_dma semaphore(%arg9 : memref<!tpu.dma_semaphore, #tpu.memory_space<semaphore_mem>>) src(%dma_wait3A_152 : memref<2048x1024xf32, #tpu.memory_space<hbm>>) dst(%arg7 : memref<32x1024xf32, #tpu.memory_space<vmem>>)
    %mul3A_153 = arith.constant 8 : i32
    %mul3A_154 = arith.muli %add3A, %mul3A_153 : i32
    %add3A_155 = arith.constant 7 : i32
    %add3A_156 = arith.addi %mul3A_154, %add3A_155 : i32
    %mul3A_157 = arith.constant 32 : i32
    %mul3A_158 = arith.muli %add3A_156, %mul3A_157 : i32
    "tpu.region"() ({
      %run_scoped3A = tpu.sem_alloc : memref<!tpu.dma_semaphore, #tpu.memory_space<semaphore_mem>>
      %dma_start3A_159 = arith.constant 0 : i32
      %dma_start3A_160 = tpu.memref_slice %arg4[%mul3A_158, %dma_start3A_159] : memref<8192x1024xf32, #tpu.memory_space<hbm>> -> memref<32x1024xf32, #tpu.memory_space<hbm>>
      %dma_start3A_161 = arith.constant 0 : i32
      %dma_start3A_162 = tpu.memref_slice %arg4[%mul3A_158, %dma_start3A_161] : memref<8192x1024xf32, #tpu.memory_space<hbm>> -> memref<32x1024xf32, #tpu.memory_space<hbm>>
      tpu.enqueue_dma source(%arg7 : memref<32x1024xf32, #tpu.memory_space<vmem>>) target(%dma_start3A_162 : memref<32x1024xf32, #tpu.memory_space<hbm>>) target_semaphore(%run_scoped3A : memref<!tpu.dma_semaphore, #tpu.memory_space<semaphore_mem>>)
      %dma_wait3A_163 = arith.constant 0 : i32
      %dma_wait3A_164 = tpu.memref_slice %arg4[%mul3A_158, %dma_wait3A_163] : memref<8192x1024xf32, #tpu.memory_space<hbm>> -> memref<32x1024xf32, #tpu.memory_space<hbm>>
      %dma_wait3A_165 = arith.constant 0 : i32
      %dma_wait3A_166 = tpu.memref_slice %arg4[%mul3A_158, %dma_wait3A_165] : memref<8192x1024xf32, #tpu.memory_space<hbm>> -> memref<32x1024xf32, #tpu.memory_space<hbm>>
      tpu.wait_dma2 semaphore(%run_scoped3A : memref<!tpu.dma_semaphore, #tpu.memory_space<semaphore_mem>>) src(%arg7 : memref<32x1024xf32, #tpu.memory_space<vmem>>) dst(%dma_wait3A_166 : memref<32x1024xf32, #tpu.memory_space<hbm>>)
      tpu.yield
    }) : () -> ()
    return
  }
}

#map = affine_map<(d0, d1) -> (0, 0)>
#map1 = affine_map<(d0, d1) -> (0, 0, 0)>
module attributes {stable_mosaic.version = 14 : i64} {
  func.func @k(%arg0: i32, %arg1: i32, %arg2: memref<8192x1024xf32, #tpu.memory_space<hbm>>, %arg3: memref<32x4x32xi32, #tpu.memory_space<hbm>>, %arg4: memref<4096x1024xf32, #tpu.memory_space<hbm>>, %arg5: memref<4x32xi32, #tpu.memory_space<vmem>>, %arg6: memref<32x1024xf32, #tpu.memory_space<vmem>>, %arg7: memref<32x1024xf32, #tpu.memory_space<vmem>>, %arg8: memref<!tpu.dma_semaphore, #tpu.memory_space<semaphore_mem>>, %arg9: memref<!tpu.dma_semaphore, #tpu.memory_space<semaphore_mem>>) attributes {dimension_semantics = [#tpu.dimension_semantics<core_parallel>, #tpu.dimension_semantics<subcore_parallel>], iteration_bounds = array<i64: 2, 16>, scalar_prefetch = 0 : i64, scratch_operands = 5 : i64, tpu.core_type = #tpu.core_type<sc_vector_subcore>, window_params = [{transform_indices = #map}, {transform_indices = #map1}, {transform_indices = #map}]} {
    %mul3A = arith.constant 2 : i32
    %mul3A_0 = arith.muli %arg1, %mul3A : i32
    %add3A = arith.addi %mul3A_0, %arg0 : i32
    "tpu.region"() ({
      %run_scoped3A = tpu.sem_alloc : memref<!tpu.dma_semaphore, #tpu.memory_space<semaphore_mem>>
      %dma_start3A_79 = arith.constant 0 : i32
      %dma_start3A_80 = arith.constant 0 : i32
      %dma_start3A_81 = tpu.memref_slice %arg3[%add3A, %dma_start3A_79, %dma_start3A_80] : memref<32x4x32xi32, #tpu.memory_space<hbm>> -> memref<1x4x32xi32, #tpu.memory_space<hbm>>
      %dma_start3A_82 = tpu.memref_squeeze %dma_start3A_81 : memref<1x4x32xi32, #tpu.memory_space<hbm>> -> memref<4x32xi32, #tpu.memory_space<hbm>>
      %dma_start3A_83 = arith.constant 0 : i32
      %dma_start3A_84 = arith.constant 0 : i32
      %dma_start3A_85 = tpu.memref_slice %arg3[%add3A, %dma_start3A_83, %dma_start3A_84] : memref<32x4x32xi32, #tpu.memory_space<hbm>> -> memref<1x4x32xi32, #tpu.memory_space<hbm>>
      %dma_start3A_86 = tpu.memref_squeeze %dma_start3A_85 : memref<1x4x32xi32, #tpu.memory_space<hbm>> -> memref<4x32xi32, #tpu.memory_space<hbm>>
      tpu.enqueue_dma source(%dma_start3A_86 : memref<4x32xi32, #tpu.memory_space<hbm>>) target(%arg5 : memref<4x32xi32, #tpu.memory_space<vmem>>) target_semaphore(%run_scoped3A : memref<!tpu.dma_semaphore, #tpu.memory_space<semaphore_mem>>)
      %dma_wait3A_87 = arith.constant 0 : i32
      %dma_wait3A_88 = arith.constant 0 : i32
      %dma_wait3A_89 = tpu.memref_slice %arg3[%add3A, %dma_wait3A_87, %dma_wait3A_88] : memref<32x4x32xi32, #tpu.memory_space<hbm>> -> memref<1x4x32xi32, #tpu.memory_space<hbm>>
      %dma_wait3A_90 = tpu.memref_squeeze %dma_wait3A_89 : memref<1x4x32xi32, #tpu.memory_space<hbm>> -> memref<4x32xi32, #tpu.memory_space<hbm>>
      %dma_wait3A_91 = arith.constant 0 : i32
      %dma_wait3A_92 = arith.constant 0 : i32
      %dma_wait3A_93 = tpu.memref_slice %arg3[%add3A, %dma_wait3A_91, %dma_wait3A_92] : memref<32x4x32xi32, #tpu.memory_space<hbm>> -> memref<1x4x32xi32, #tpu.memory_space<hbm>>
      %dma_wait3A_94 = tpu.memref_squeeze %dma_wait3A_93 : memref<1x4x32xi32, #tpu.memory_space<hbm>> -> memref<4x32xi32, #tpu.memory_space<hbm>>
      tpu.wait_dma2 semaphore(%run_scoped3A : memref<!tpu.dma_semaphore, #tpu.memory_space<semaphore_mem>>) src(%dma_wait3A_94 : memref<4x32xi32, #tpu.memory_space<hbm>>) dst(%arg5 : memref<4x32xi32, #tpu.memory_space<vmem>>)
      tpu.yield
    }) : () -> ()
    %dma_start3A = arith.constant 0 : i32
    %dma_start3A_1 = arith.constant 0 : i32
    %dma_start3A_2 = tpu.memref_slice %arg5[%dma_start3A, %dma_start3A_1] : memref<4x32xi32, #tpu.memory_space<vmem>> -> memref<1x32xi32, #tpu.memory_space<vmem>>
    %dma_start3A_3 = tpu.memref_squeeze %dma_start3A_2 : memref<1x32xi32, #tpu.memory_space<vmem>> -> memref<32xi32, #tpu.memory_space<vmem>>
    %dma_start3A_4 = arith.constant 0 : i32
    %dma_start3A_5 = arith.constant 0 : i32
    %dma_start3A_6 = tpu.memref_slice %arg2[%dma_start3A_4, %dma_start3A_5] : memref<8192x1024xf32, #tpu.memory_space<hbm>> -> memref<8192x1024xf32, #tpu.memory_space<hbm>>
    tpu.enqueue_indirect_dma source(%dma_start3A_6 : memref<8192x1024xf32, #tpu.memory_space<hbm>>) target(%arg6 : memref<32x1024xf32, #tpu.memory_space<vmem>>) offsets(%dma_start3A_3 : memref<32xi32, #tpu.memory_space<vmem>>) semaphore(%arg8 : memref<!tpu.dma_semaphore, #tpu.memory_space<semaphore_mem>>)
    %dma_start3A_7 = arith.constant 1 : i32
    %dma_start3A_8 = arith.constant 0 : i32
    %dma_start3A_9 = tpu.memref_slice %arg5[%dma_start3A_7, %dma_start3A_8] : memref<4x32xi32, #tpu.memory_space<vmem>> -> memref<1x32xi32, #tpu.memory_space<vmem>>
    %dma_start3A_10 = tpu.memref_squeeze %dma_start3A_9 : memref<1x32xi32, #tpu.memory_space<vmem>> -> memref<32xi32, #tpu.memory_space<vmem>>
    %dma_start3A_11 = arith.constant 0 : i32
    %dma_start3A_12 = arith.constant 0 : i32
    %dma_start3A_13 = tpu.memref_slice %arg2[%dma_start3A_11, %dma_start3A_12] : memref<8192x1024xf32, #tpu.memory_space<hbm>> -> memref<8192x1024xf32, #tpu.memory_space<hbm>>
    tpu.enqueue_indirect_dma source(%dma_start3A_13 : memref<8192x1024xf32, #tpu.memory_space<hbm>>) target(%arg7 : memref<32x1024xf32, #tpu.memory_space<vmem>>) offsets(%dma_start3A_10 : memref<32xi32, #tpu.memory_space<vmem>>) semaphore(%arg9 : memref<!tpu.dma_semaphore, #tpu.memory_space<semaphore_mem>>)
    %dma_wait3A = arith.constant 0 : i32
    %dma_wait3A_14 = arith.constant 0 : i32
    %dma_wait3A_15 = tpu.memref_slice %arg5[%dma_wait3A, %dma_wait3A_14] : memref<4x32xi32, #tpu.memory_space<vmem>> -> memref<1x32xi32, #tpu.memory_space<vmem>>
    %dma_wait3A_16 = tpu.memref_squeeze %dma_wait3A_15 : memref<1x32xi32, #tpu.memory_space<vmem>> -> memref<32xi32, #tpu.memory_space<vmem>>
    %dma_wait3A_17 = arith.constant 0 : i32
    %dma_wait3A_18 = arith.constant 0 : i32
    %dma_wait3A_19 = tpu.memref_slice %arg2[%dma_wait3A_17, %dma_wait3A_18] : memref<8192x1024xf32, #tpu.memory_space<hbm>> -> memref<8192x1024xf32, #tpu.memory_space<hbm>>
    tpu.wait_indirect_dma semaphore(%arg8 : memref<!tpu.dma_semaphore, #tpu.memory_space<semaphore_mem>>) src(%dma_wait3A_19 : memref<8192x1024xf32, #tpu.memory_space<hbm>>) dst(%arg6 : memref<32x1024xf32, #tpu.memory_space<vmem>>)
    %mul3A_20 = arith.constant 4 : i32
    %mul3A_21 = arith.muli %add3A, %mul3A_20 : i32
    %add3A_22 = arith.constant 0 : i32
    %add3A_23 = arith.addi %mul3A_21, %add3A_22 : i32
    %mul3A_24 = arith.constant 32 : i32
    %mul3A_25 = arith.muli %add3A_23, %mul3A_24 : i32
    "tpu.region"() ({
      %run_scoped3A = tpu.sem_alloc : memref<!tpu.dma_semaphore, #tpu.memory_space<semaphore_mem>>
      %dma_start3A_79 = arith.constant 0 : i32
      %dma_start3A_80 = tpu.memref_slice %arg4[%mul3A_25, %dma_start3A_79] : memref<4096x1024xf32, #tpu.memory_space<hbm>> -> memref<32x1024xf32, #tpu.memory_space<hbm>>
      %dma_start3A_81 = arith.constant 0 : i32
      %dma_start3A_82 = tpu.memref_slice %arg4[%mul3A_25, %dma_start3A_81] : memref<4096x1024xf32, #tpu.memory_space<hbm>> -> memref<32x1024xf32, #tpu.memory_space<hbm>>
      tpu.enqueue_dma source(%arg6 : memref<32x1024xf32, #tpu.memory_space<vmem>>) target(%dma_start3A_82 : memref<32x1024xf32, #tpu.memory_space<hbm>>) target_semaphore(%run_scoped3A : memref<!tpu.dma_semaphore, #tpu.memory_space<semaphore_mem>>)
      %dma_wait3A_83 = arith.constant 0 : i32
      %dma_wait3A_84 = tpu.memref_slice %arg4[%mul3A_25, %dma_wait3A_83] : memref<4096x1024xf32, #tpu.memory_space<hbm>> -> memref<32x1024xf32, #tpu.memory_space<hbm>>
      %dma_wait3A_85 = arith.constant 0 : i32
      %dma_wait3A_86 = tpu.memref_slice %arg4[%mul3A_25, %dma_wait3A_85] : memref<4096x1024xf32, #tpu.memory_space<hbm>> -> memref<32x1024xf32, #tpu.memory_space<hbm>>
      tpu.wait_dma2 semaphore(%run_scoped3A : memref<!tpu.dma_semaphore, #tpu.memory_space<semaphore_mem>>) src(%arg6 : memref<32x1024xf32, #tpu.memory_space<vmem>>) dst(%dma_wait3A_86 : memref<32x1024xf32, #tpu.memory_space<hbm>>)
      tpu.yield
    }) : () -> ()
    %dma_start3A_26 = arith.constant 2 : i32
    %dma_start3A_27 = arith.constant 0 : i32
    %dma_start3A_28 = tpu.memref_slice %arg5[%dma_start3A_26, %dma_start3A_27] : memref<4x32xi32, #tpu.memory_space<vmem>> -> memref<1x32xi32, #tpu.memory_space<vmem>>
    %dma_start3A_29 = tpu.memref_squeeze %dma_start3A_28 : memref<1x32xi32, #tpu.memory_space<vmem>> -> memref<32xi32, #tpu.memory_space<vmem>>
    %dma_start3A_30 = arith.constant 0 : i32
    %dma_start3A_31 = arith.constant 0 : i32
    %dma_start3A_32 = tpu.memref_slice %arg2[%dma_start3A_30, %dma_start3A_31] : memref<8192x1024xf32, #tpu.memory_space<hbm>> -> memref<8192x1024xf32, #tpu.memory_space<hbm>>
    tpu.enqueue_indirect_dma source(%dma_start3A_32 : memref<8192x1024xf32, #tpu.memory_space<hbm>>) target(%arg6 : memref<32x1024xf32, #tpu.memory_space<vmem>>) offsets(%dma_start3A_29 : memref<32xi32, #tpu.memory_space<vmem>>) semaphore(%arg8 : memref<!tpu.dma_semaphore, #tpu.memory_space<semaphore_mem>>)
    %dma_wait3A_33 = arith.constant 1 : i32
    %dma_wait3A_34 = arith.constant 0 : i32
    %dma_wait3A_35 = tpu.memref_slice %arg5[%dma_wait3A_33, %dma_wait3A_34] : memref<4x32xi32, #tpu.memory_space<vmem>> -> memref<1x32xi32, #tpu.memory_space<vmem>>
    %dma_wait3A_36 = tpu.memref_squeeze %dma_wait3A_35 : memref<1x32xi32, #tpu.memory_space<vmem>> -> memref<32xi32, #tpu.memory_space<vmem>>
    %dma_wait3A_37 = arith.constant 0 : i32
    %dma_wait3A_38 = arith.constant 0 : i32
    %dma_wait3A_39 = tpu.memref_slice %arg2[%dma_wait3A_37, %dma_wait3A_38] : memref<8192x1024xf32, #tpu.memory_space<hbm>> -> memref<8192x1024xf32, #tpu.memory_space<hbm>>
    tpu.wait_indirect_dma semaphore(%arg9 : memref<!tpu.dma_semaphore, #tpu.memory_space<semaphore_mem>>) src(%dma_wait3A_39 : memref<8192x1024xf32, #tpu.memory_space<hbm>>) dst(%arg7 : memref<32x1024xf32, #tpu.memory_space<vmem>>)
    %mul3A_40 = arith.constant 4 : i32
    %mul3A_41 = arith.muli %add3A, %mul3A_40 : i32
    %add3A_42 = arith.constant 1 : i32
    %add3A_43 = arith.addi %mul3A_41, %add3A_42 : i32
    %mul3A_44 = arith.constant 32 : i32
    %mul3A_45 = arith.muli %add3A_43, %mul3A_44 : i32
    "tpu.region"() ({
      %run_scoped3A = tpu.sem_alloc : memref<!tpu.dma_semaphore, #tpu.memory_space<semaphore_mem>>
      %dma_start3A_79 = arith.constant 0 : i32
      %dma_start3A_80 = tpu.memref_slice %arg4[%mul3A_45, %dma_start3A_79] : memref<4096x1024xf32, #tpu.memory_space<hbm>> -> memref<32x1024xf32, #tpu.memory_space<hbm>>
      %dma_start3A_81 = arith.constant 0 : i32
      %dma_start3A_82 = tpu.memref_slice %arg4[%mul3A_45, %dma_start3A_81] : memref<4096x1024xf32, #tpu.memory_space<hbm>> -> memref<32x1024xf32, #tpu.memory_space<hbm>>
      tpu.enqueue_dma source(%arg7 : memref<32x1024xf32, #tpu.memory_space<vmem>>) target(%dma_start3A_82 : memref<32x1024xf32, #tpu.memory_space<hbm>>) target_semaphore(%run_scoped3A : memref<!tpu.dma_semaphore, #tpu.memory_space<semaphore_mem>>)
      %dma_wait3A_83 = arith.constant 0 : i32
      %dma_wait3A_84 = tpu.memref_slice %arg4[%mul3A_45, %dma_wait3A_83] : memref<4096x1024xf32, #tpu.memory_space<hbm>> -> memref<32x1024xf32, #tpu.memory_space<hbm>>
      %dma_wait3A_85 = arith.constant 0 : i32
      %dma_wait3A_86 = tpu.memref_slice %arg4[%mul3A_45, %dma_wait3A_85] : memref<4096x1024xf32, #tpu.memory_space<hbm>> -> memref<32x1024xf32, #tpu.memory_space<hbm>>
      tpu.wait_dma2 semaphore(%run_scoped3A : memref<!tpu.dma_semaphore, #tpu.memory_space<semaphore_mem>>) src(%arg7 : memref<32x1024xf32, #tpu.memory_space<vmem>>) dst(%dma_wait3A_86 : memref<32x1024xf32, #tpu.memory_space<hbm>>)
      tpu.yield
    }) : () -> ()
    %dma_start3A_46 = arith.constant 3 : i32
    %dma_start3A_47 = arith.constant 0 : i32
    %dma_start3A_48 = tpu.memref_slice %arg5[%dma_start3A_46, %dma_start3A_47] : memref<4x32xi32, #tpu.memory_space<vmem>> -> memref<1x32xi32, #tpu.memory_space<vmem>>
    %dma_start3A_49 = tpu.memref_squeeze %dma_start3A_48 : memref<1x32xi32, #tpu.memory_space<vmem>> -> memref<32xi32, #tpu.memory_space<vmem>>
    %dma_start3A_50 = arith.constant 0 : i32
    %dma_start3A_51 = arith.constant 0 : i32
    %dma_start3A_52 = tpu.memref_slice %arg2[%dma_start3A_50, %dma_start3A_51] : memref<8192x1024xf32, #tpu.memory_space<hbm>> -> memref<8192x1024xf32, #tpu.memory_space<hbm>>
    tpu.enqueue_indirect_dma source(%dma_start3A_52 : memref<8192x1024xf32, #tpu.memory_space<hbm>>) target(%arg7 : memref<32x1024xf32, #tpu.memory_space<vmem>>) offsets(%dma_start3A_49 : memref<32xi32, #tpu.memory_space<vmem>>) semaphore(%arg9 : memref<!tpu.dma_semaphore, #tpu.memory_space<semaphore_mem>>)
    %dma_wait3A_53 = arith.constant 2 : i32
    %dma_wait3A_54 = arith.constant 0 : i32
    %dma_wait3A_55 = tpu.memref_slice %arg5[%dma_wait3A_53, %dma_wait3A_54] : memref<4x32xi32, #tpu.memory_space<vmem>> -> memref<1x32xi32, #tpu.memory_space<vmem>>
    %dma_wait3A_56 = tpu.memref_squeeze %dma_wait3A_55 : memref<1x32xi32, #tpu.memory_space<vmem>> -> memref<32xi32, #tpu.memory_space<vmem>>
    %dma_wait3A_57 = arith.constant 0 : i32
    %dma_wait3A_58 = arith.constant 0 : i32
    %dma_wait3A_59 = tpu.memref_slice %arg2[%dma_wait3A_57, %dma_wait3A_58] : memref<8192x1024xf32, #tpu.memory_space<hbm>> -> memref<8192x1024xf32, #tpu.memory_space<hbm>>
    tpu.wait_indirect_dma semaphore(%arg8 : memref<!tpu.dma_semaphore, #tpu.memory_space<semaphore_mem>>) src(%dma_wait3A_59 : memref<8192x1024xf32, #tpu.memory_space<hbm>>) dst(%arg6 : memref<32x1024xf32, #tpu.memory_space<vmem>>)
    %mul3A_60 = arith.constant 4 : i32
    %mul3A_61 = arith.muli %add3A, %mul3A_60 : i32
    %add3A_62 = arith.constant 2 : i32
    %add3A_63 = arith.addi %mul3A_61, %add3A_62 : i32
    %mul3A_64 = arith.constant 32 : i32
    %mul3A_65 = arith.muli %add3A_63, %mul3A_64 : i32
    "tpu.region"() ({
      %run_scoped3A = tpu.sem_alloc : memref<!tpu.dma_semaphore, #tpu.memory_space<semaphore_mem>>
      %dma_start3A_79 = arith.constant 0 : i32
      %dma_start3A_80 = tpu.memref_slice %arg4[%mul3A_65, %dma_start3A_79] : memref<4096x1024xf32, #tpu.memory_space<hbm>> -> memref<32x1024xf32, #tpu.memory_space<hbm>>
      %dma_start3A_81 = arith.constant 0 : i32
      %dma_start3A_82 = tpu.memref_slice %arg4[%mul3A_65, %dma_start3A_81] : memref<4096x1024xf32, #tpu.memory_space<hbm>> -> memref<32x1024xf32, #tpu.memory_space<hbm>>
      tpu.enqueue_dma source(%arg6 : memref<32x1024xf32, #tpu.memory_space<vmem>>) target(%dma_start3A_82 : memref<32x1024xf32, #tpu.memory_space<hbm>>) target_semaphore(%run_scoped3A : memref<!tpu.dma_semaphore, #tpu.memory_space<semaphore_mem>>)
      %dma_wait3A_83 = arith.constant 0 : i32
      %dma_wait3A_84 = tpu.memref_slice %arg4[%mul3A_65, %dma_wait3A_83] : memref<4096x1024xf32, #tpu.memory_space<hbm>> -> memref<32x1024xf32, #tpu.memory_space<hbm>>
      %dma_wait3A_85 = arith.constant 0 : i32
      %dma_wait3A_86 = tpu.memref_slice %arg4[%mul3A_65, %dma_wait3A_85] : memref<4096x1024xf32, #tpu.memory_space<hbm>> -> memref<32x1024xf32, #tpu.memory_space<hbm>>
      tpu.wait_dma2 semaphore(%run_scoped3A : memref<!tpu.dma_semaphore, #tpu.memory_space<semaphore_mem>>) src(%arg6 : memref<32x1024xf32, #tpu.memory_space<vmem>>) dst(%dma_wait3A_86 : memref<32x1024xf32, #tpu.memory_space<hbm>>)
      tpu.yield
    }) : () -> ()
    %dma_wait3A_66 = arith.constant 3 : i32
    %dma_wait3A_67 = arith.constant 0 : i32
    %dma_wait3A_68 = tpu.memref_slice %arg5[%dma_wait3A_66, %dma_wait3A_67] : memref<4x32xi32, #tpu.memory_space<vmem>> -> memref<1x32xi32, #tpu.memory_space<vmem>>
    %dma_wait3A_69 = tpu.memref_squeeze %dma_wait3A_68 : memref<1x32xi32, #tpu.memory_space<vmem>> -> memref<32xi32, #tpu.memory_space<vmem>>
    %dma_wait3A_70 = arith.constant 0 : i32
    %dma_wait3A_71 = arith.constant 0 : i32
    %dma_wait3A_72 = tpu.memref_slice %arg2[%dma_wait3A_70, %dma_wait3A_71] : memref<8192x1024xf32, #tpu.memory_space<hbm>> -> memref<8192x1024xf32, #tpu.memory_space<hbm>>
    tpu.wait_indirect_dma semaphore(%arg9 : memref<!tpu.dma_semaphore, #tpu.memory_space<semaphore_mem>>) src(%dma_wait3A_72 : memref<8192x1024xf32, #tpu.memory_space<hbm>>) dst(%arg7 : memref<32x1024xf32, #tpu.memory_space<vmem>>)
    %mul3A_73 = arith.constant 4 : i32
    %mul3A_74 = arith.muli %add3A, %mul3A_73 : i32
    %add3A_75 = arith.constant 3 : i32
    %add3A_76 = arith.addi %mul3A_74, %add3A_75 : i32
    %mul3A_77 = arith.constant 32 : i32
    %mul3A_78 = arith.muli %add3A_76, %mul3A_77 : i32
    "tpu.region"() ({
      %run_scoped3A = tpu.sem_alloc : memref<!tpu.dma_semaphore, #tpu.memory_space<semaphore_mem>>
      %dma_start3A_79 = arith.constant 0 : i32
      %dma_start3A_80 = tpu.memref_slice %arg4[%mul3A_78, %dma_start3A_79] : memref<4096x1024xf32, #tpu.memory_space<hbm>> -> memref<32x1024xf32, #tpu.memory_space<hbm>>
      %dma_start3A_81 = arith.constant 0 : i32
      %dma_start3A_82 = tpu.memref_slice %arg4[%mul3A_78, %dma_start3A_81] : memref<4096x1024xf32, #tpu.memory_space<hbm>> -> memref<32x1024xf32, #tpu.memory_space<hbm>>
      tpu.enqueue_dma source(%arg7 : memref<32x1024xf32, #tpu.memory_space<vmem>>) target(%dma_start3A_82 : memref<32x1024xf32, #tpu.memory_space<hbm>>) target_semaphore(%run_scoped3A : memref<!tpu.dma_semaphore, #tpu.memory_space<semaphore_mem>>)
      %dma_wait3A_83 = arith.constant 0 : i32
      %dma_wait3A_84 = tpu.memref_slice %arg4[%mul3A_78, %dma_wait3A_83] : memref<4096x1024xf32, #tpu.memory_space<hbm>> -> memref<32x1024xf32, #tpu.memory_space<hbm>>
      %dma_wait3A_85 = arith.constant 0 : i32
      %dma_wait3A_86 = tpu.memref_slice %arg4[%mul3A_78, %dma_wait3A_85] : memref<4096x1024xf32, #tpu.memory_space<hbm>> -> memref<32x1024xf32, #tpu.memory_space<hbm>>
      tpu.wait_dma2 semaphore(%run_scoped3A : memref<!tpu.dma_semaphore, #tpu.memory_space<semaphore_mem>>) src(%arg7 : memref<32x1024xf32, #tpu.memory_space<vmem>>) dst(%dma_wait3A_86 : memref<32x1024xf32, #tpu.memory_space<hbm>>)
      tpu.yield
    }) : () -> ()
    return
  }
}

module attributes {stable_mosaic.version = 14 : i64} {
  func.func @_router_shared_body(%arg0: i32, %arg1: memref<256x1024xf32, #tpu.memory_space<vmem>>, %arg2: memref<64x1024xf32, #tpu.memory_space<vmem>>, %arg3: memref<1x64xf32, #tpu.memory_space<vmem>>, %arg4: memref<512x1024xf32, #tpu.memory_space<vmem>>, %arg5: memref<512x1024xf32, #tpu.memory_space<vmem>>, %arg6: memref<1024x512xf32, #tpu.memory_space<vmem>>, %arg7: memref<256x1024xf32, #tpu.memory_space<vmem>>, %arg8: memref<1x1x256xi32, #tpu.memory_space<vmem>>, %arg9: memref<1x1x256xi32, #tpu.memory_space<vmem>>, %arg10: memref<1x1x256xf32, #tpu.memory_space<vmem>>, %arg11: memref<1x1x256xf32, #tpu.memory_space<vmem>>) attributes {dimension_semantics = [#tpu.dimension_semantics<arbitrary>], iteration_bounds = array<i64: 8>, scalar_prefetch = 0 : i64, scratch_operands = 0 : i64, tpu.core_type = #tpu.core_type<tc>, window_params = [{transform_indices = @transform_0, window_bounds = array<i64: 256, 1024>}, {pipeline_mode = #tpu.pipeline_mode<synchronous>, transform_indices = @transform_1, window_bounds = array<i64: 64, 1024>}, {pipeline_mode = #tpu.pipeline_mode<synchronous>, transform_indices = @transform_2, window_bounds = array<i64: 1, 64>}, {pipeline_mode = #tpu.pipeline_mode<synchronous>, transform_indices = @transform_3, window_bounds = array<i64: 512, 1024>}, {pipeline_mode = #tpu.pipeline_mode<synchronous>, transform_indices = @transform_4, window_bounds = array<i64: 512, 1024>}, {pipeline_mode = #tpu.pipeline_mode<synchronous>, transform_indices = @transform_5, window_bounds = array<i64: 1024, 512>}, {transform_indices = @transform_6, window_bounds = array<i64: 256, 1024>}, {transform_indices = @transform_7, window_bounds = array<i64: 1, 1, 256>}, {transform_indices = @transform_8, window_bounds = array<i64: 1, 1, 256>}, {transform_indices = @transform_9, window_bounds = array<i64: 1, 1, 256>}, {transform_indices = @transform_10, window_bounds = array<i64: 1, 1, 256>}]} {
    %get3A = arith.constant 0 : index
    %get3A_0 = arith.constant 0 : index
    %get3A_1 = vector.load %arg1[%get3A, %get3A_0] : memref<256x1024xf32, #tpu.memory_space<vmem>>, vector<256x1024xf32>
    %get3A_2 = arith.constant 0 : index
    %get3A_3 = arith.constant 0 : index
    %get3A_4 = vector.load %arg2[%get3A_2, %get3A_3] : memref<64x1024xf32, #tpu.memory_space<vmem>>, vector<64x1024xf32>
    %dot_general3A = arith.constant dense<0.000000e+00> : vector<256x64xf32>
    %dot_general3A_5 = tpu.matmul %get3A_1, %get3A_4, %dot_general3A {dimension_numbers = #tpu.dot_dimension_numbers<[1], [1], [0], [0], [0, 0, 1, 0], [], []>, transpose_lhs_hint = false} : vector<256x1024xf32>, vector<64x1024xf32>, vector<256x64xf32> -> vector<256x64xf32>
    %logistic3A = arith.negf %dot_general3A_5 : vector<256x64xf32>
    %logistic3A_6 = math.exp %logistic3A : vector<256x64xf32>
    %logistic3A_7 = arith.constant 1.000000e+00 : f32
    %logistic3A_8 = vector.broadcast %logistic3A_7 : f32 to vector<256x64xf32>
    %logistic3A_9 = arith.addf %logistic3A_8, %logistic3A_6 : vector<256x64xf32>
    %logistic3A_10 = arith.divf %logistic3A_8, %logistic3A_9 : vector<256x64xf32>
    %get3A_11 = arith.constant 0 : index
    %get3A_12 = arith.constant 0 : index
    %get3A_13 = vector.load %arg3[%get3A_11, %get3A_12] : memref<1x64xf32, #tpu.memory_space<vmem>>, vector<1x64xf32>
    %add3A = vector.broadcast %get3A_13 : vector<1x64xf32> to vector<256x64xf32>
    %add3A_14 = arith.addf %logistic3A_10, %add3A : vector<256x64xf32>
    %iota3A = tpu.iota {dimensions = array<i32: 1>} : vector<256x64xi32>
    %reduce_max3A = arith.constant dense<0xFF800000> : vector<256xf32>
    %reduce_max3A_15 = vector.multi_reduction <maximumf>, %add3A_14, %reduce_max3A [1] : vector<256x64xf32> to vector<256xf32>
    %broadcast_in_dim3A = vector.shape_cast %reduce_max3A_15 : vector<256xf32> to vector<256x1xf32>
    %eq3A = vector.broadcast %broadcast_in_dim3A : vector<256x1xf32> to vector<256x64xf32>
    %eq3A_16 = arith.cmpf oeq, %add3A_14, %eq3A : vector<256x64xf32>
    %jit3A = arith.constant 64 : i32
    %broadcast_in_dim3A_17 = vector.broadcast %jit3A : i32 to vector<256x64xi32>
    %select_n3A = arith.select %eq3A_16, %iota3A, %broadcast_in_dim3A_17 : vector<256x64xi1>, vector<256x64xi32>
    %reduce_min3A = arith.constant dense<2147483647> : vector<256xi32>
    %reduce_min3A_18 = vector.multi_reduction <minsi>, %select_n3A, %reduce_min3A [1] : vector<256x64xi32> to vector<256xi32>
    %broadcast_in_dim3A_19 = vector.shape_cast %reduce_min3A_18 : vector<256xi32> to vector<256x1xi32>
    %eq3A_20 = vector.broadcast %broadcast_in_dim3A_19 : vector<256x1xi32> to vector<256x64xi32>
    %eq3A_21 = arith.cmpi eq, %iota3A, %eq3A_20 : vector<256x64xi32>
    %jit3A_22 = arith.constant 0xFF800000 : f32
    %broadcast_in_dim3A_23 = vector.broadcast %jit3A_22 : f32 to vector<256x64xf32>
    %select_n3A_24 = arith.select %eq3A_21, %broadcast_in_dim3A_23, %add3A_14 : vector<256x64xi1>, vector<256x64xf32>
    %reduce_max3A_25 = arith.constant dense<0xFF800000> : vector<256xf32>
    %reduce_max3A_26 = vector.multi_reduction <maximumf>, %select_n3A_24, %reduce_max3A_25 [1] : vector<256x64xf32> to vector<256xf32>
    %broadcast_in_dim3A_27 = vector.shape_cast %reduce_max3A_26 : vector<256xf32> to vector<256x1xf32>
    %eq3A_28 = vector.broadcast %broadcast_in_dim3A_27 : vector<256x1xf32> to vector<256x64xf32>
    %eq3A_29 = arith.cmpf oeq, %select_n3A_24, %eq3A_28 : vector<256x64xf32>
    %jit3A_30 = arith.constant 64 : i32
    %broadcast_in_dim3A_31 = vector.broadcast %jit3A_30 : i32 to vector<256x64xi32>
    %select_n3A_32 = arith.select %eq3A_29, %iota3A, %broadcast_in_dim3A_31 : vector<256x64xi1>, vector<256x64xi32>
    %reduce_min3A_33 = arith.constant dense<2147483647> : vector<256xi32>
    %reduce_min3A_34 = vector.multi_reduction <minsi>, %select_n3A_32, %reduce_min3A_33 [1] : vector<256x64xi32> to vector<256xi32>
    %broadcast_in_dim3A_35 = vector.shape_cast %reduce_min3A_34 : vector<256xi32> to vector<256x1xi32>
    %eq3A_36 = vector.broadcast %broadcast_in_dim3A_19 : vector<256x1xi32> to vector<256x64xi32>
    %eq3A_37 = arith.cmpi eq, %iota3A, %eq3A_36 : vector<256x64xi32>
    %jit3A_38 = arith.constant 0.000000e+00 : f32
    %broadcast_in_dim3A_39 = vector.broadcast %jit3A_38 : f32 to vector<256x64xf32>
    %select_n3A_40 = arith.select %eq3A_37, %logistic3A_10, %broadcast_in_dim3A_39 : vector<256x64xi1>, vector<256x64xf32>
    %reduce_sum3A = arith.constant dense<0.000000e+00> : vector<256xf32>
    %reduce_sum3A_41 = vector.multi_reduction <add>, %select_n3A_40, %reduce_sum3A [1] : vector<256x64xf32> to vector<256xf32>
    %eq3A_42 = vector.broadcast %broadcast_in_dim3A_35 : vector<256x1xi32> to vector<256x64xi32>
    %eq3A_43 = arith.cmpi eq, %iota3A, %eq3A_42 : vector<256x64xi32>
    %jit3A_44 = arith.constant 0.000000e+00 : f32
    %broadcast_in_dim3A_45 = vector.broadcast %jit3A_44 : f32 to vector<256x64xf32>
    %select_n3A_46 = arith.select %eq3A_43, %logistic3A_10, %broadcast_in_dim3A_45 : vector<256x64xi1>, vector<256x64xf32>
    %reduce_sum3A_47 = arith.constant dense<0.000000e+00> : vector<256xf32>
    %reduce_sum3A_48 = vector.multi_reduction <add>, %select_n3A_46, %reduce_sum3A_47 [1] : vector<256x64xf32> to vector<256xf32>
    %add3A_49 = arith.addf %reduce_sum3A_41, %reduce_sum3A_48 : vector<256xf32>
    %add3A_50 = arith.constant 9.99999968E-21 : f32
    %add3A_51 = vector.broadcast %add3A_50 : f32 to vector<256xf32>
    %add3A_52 = arith.addf %add3A_49, %add3A_51 : vector<256xf32>
    %squeeze3A = vector.shape_cast %broadcast_in_dim3A_19 : vector<256x1xi32> to vector<256xi32>
    %swap3A = arith.constant 0 : index
    %swap3A_53 = arith.constant 0 : index
    %swap3A_54 = arith.constant 0 : index
    %swap3A_55 = vector.load %arg8[%swap3A, %swap3A_53, %swap3A_54] : memref<1x1x256xi32, #tpu.memory_space<vmem>>, vector<1x1x256xi32>
    %swap3A_56 = vector.shape_cast %swap3A_55 : vector<1x1x256xi32> to vector<256xi32>
    %swap3A_57 = vector.shape_cast %squeeze3A : vector<256xi32> to vector<1x1x256xi32>
    tpu.vector_store %arg8[%swap3A, %swap3A_53, %swap3A_54], %swap3A_57 {strides = array<i32>} : memref<1x1x256xi32, #tpu.memory_space<vmem>>, vector<1x1x256xi32>,
    %squeeze3A_58 = vector.shape_cast %broadcast_in_dim3A_35 : vector<256x1xi32> to vector<256xi32>
    %swap3A_59 = arith.constant 0 : index
    %swap3A_60 = arith.constant 0 : index
    %swap3A_61 = arith.constant 0 : index
    %swap3A_62 = vector.load %arg9[%swap3A_59, %swap3A_60, %swap3A_61] : memref<1x1x256xi32, #tpu.memory_space<vmem>>, vector<1x1x256xi32>
    %swap3A_63 = vector.shape_cast %swap3A_62 : vector<1x1x256xi32> to vector<256xi32>
    %swap3A_64 = vector.shape_cast %squeeze3A_58 : vector<256xi32> to vector<1x1x256xi32>
    tpu.vector_store %arg9[%swap3A_59, %swap3A_60, %swap3A_61], %swap3A_64 {strides = array<i32>} : memref<1x1x256xi32, #tpu.memory_space<vmem>>, vector<1x1x256xi32>,
    %div3A = arith.divf %reduce_sum3A_41, %add3A_52 : vector<256xf32>
    %swap3A_65 = arith.constant 0 : index
    %swap3A_66 = arith.constant 0 : index
    %swap3A_67 = arith.constant 0 : index
    %swap3A_68 = vector.load %arg10[%swap3A_65, %swap3A_66, %swap3A_67] : memref<1x1x256xf32, #tpu.memory_space<vmem>>, vector<1x1x256xf32>
    %swap3A_69 = vector.shape_cast %swap3A_68 : vector<1x1x256xf32> to vector<256xf32>
    %swap3A_70 = vector.shape_cast %div3A : vector<256xf32> to vector<1x1x256xf32>
    tpu.vector_store %arg10[%swap3A_65, %swap3A_66, %swap3A_67], %swap3A_70 {strides = array<i32>} : memref<1x1x256xf32, #tpu.memory_space<vmem>>, vector<1x1x256xf32>,
    %div3A_71 = arith.divf %reduce_sum3A_48, %add3A_52 : vector<256xf32>
    %swap3A_72 = arith.constant 0 : index
    %swap3A_73 = arith.constant 0 : index
    %swap3A_74 = arith.constant 0 : index
    %swap3A_75 = vector.load %arg11[%swap3A_72, %swap3A_73, %swap3A_74] : memref<1x1x256xf32, #tpu.memory_space<vmem>>, vector<1x1x256xf32>
    %swap3A_76 = vector.shape_cast %swap3A_75 : vector<1x1x256xf32> to vector<256xf32>
    %swap3A_77 = vector.shape_cast %div3A_71 : vector<256xf32> to vector<1x1x256xf32>
    tpu.vector_store %arg11[%swap3A_72, %swap3A_73, %swap3A_74], %swap3A_77 {strides = array<i32>} : memref<1x1x256xf32, #tpu.memory_space<vmem>>, vector<1x1x256xf32>,
    %convert_element_type3A = arith.truncf %get3A_1 : vector<256x1024xf32> to vector<256x1024xbf16>
    %get3A_78 = arith.constant 0 : index
    %get3A_79 = arith.constant 0 : index
    %get3A_80 = vector.load %arg4[%get3A_78, %get3A_79] : memref<512x1024xf32, #tpu.memory_space<vmem>>, vector<512x1024xf32>
    %convert_element_type3A_81 = arith.truncf %get3A_80 : vector<512x1024xf32> to vector<512x1024xbf16>
    %get3A_82 = arith.constant 0 : index
    %get3A_83 = arith.constant 0 : index
    %get3A_84 = vector.load %arg5[%get3A_82, %get3A_83] : memref<512x1024xf32, #tpu.memory_space<vmem>>, vector<512x1024xf32>
    %convert_element_type3A_85 = arith.truncf %get3A_84 : vector<512x1024xf32> to vector<512x1024xbf16>
    %get3A_86 = arith.constant 0 : index
    %get3A_87 = arith.constant 0 : index
    %get3A_88 = vector.load %arg6[%get3A_86, %get3A_87] : memref<1024x512xf32, #tpu.memory_space<vmem>>, vector<1024x512xf32>
    %convert_element_type3A_89 = arith.truncf %get3A_88 : vector<1024x512xf32> to vector<1024x512xbf16>
    %dot_general3A_90 = arith.constant dense<0.000000e+00> : vector<256x512xf32>
    %dot_general3A_91 = tpu.matmul %convert_element_type3A, %convert_element_type3A_81, %dot_general3A_90 {dimension_numbers = #tpu.dot_dimension_numbers<[1], [1], [0], [0], [0, 0, 1, 0], [], []>, transpose_lhs_hint = false} : vector<256x1024xbf16>, vector<512x1024xbf16>, vector<256x512xf32> -> vector<256x512xf32>
    %dot_general3A_92 = arith.constant dense<0.000000e+00> : vector<256x512xf32>
    %dot_general3A_93 = tpu.matmul %convert_element_type3A, %convert_element_type3A_85, %dot_general3A_92 {dimension_numbers = #tpu.dot_dimension_numbers<[1], [1], [0], [0], [0, 0, 1, 0], [], []>, transpose_lhs_hint = false} : vector<256x1024xbf16>, vector<512x1024xbf16>, vector<256x512xf32> -> vector<256x512xf32>
    %logistic3A_94 = arith.negf %dot_general3A_91 : vector<256x512xf32>
    %logistic3A_95 = math.exp %logistic3A_94 : vector<256x512xf32>
    %logistic3A_96 = arith.constant 1.000000e+00 : f32
    %logistic3A_97 = vector.broadcast %logistic3A_96 : f32 to vector<256x512xf32>
    %logistic3A_98 = arith.addf %logistic3A_97, %logistic3A_95 : vector<256x512xf32>
    %logistic3A_99 = arith.divf %logistic3A_97, %logistic3A_98 : vector<256x512xf32>
    %mul3A = arith.mulf %dot_general3A_91, %logistic3A_99 : vector<256x512xf32>
    %mul3A_100 = arith.mulf %mul3A, %dot_general3A_93 : vector<256x512xf32>
    %convert_element_type3A_101 = arith.truncf %mul3A_100 : vector<256x512xf32> to vector<256x512xbf16>
    %dot_general3A_102 = arith.constant dense<0.000000e+00> : vector<256x1024xf32>
    %dot_general3A_103 = tpu.matmul %convert_element_type3A_101, %convert_element_type3A_89, %dot_general3A_102 {dimension_numbers = #tpu.dot_dimension_numbers<[1], [1], [0], [0], [0, 0, 1, 0], [], []>, transpose_lhs_hint = false} : vector<256x512xbf16>, vector<1024x512xbf16>, vector<256x1024xf32> -> vector<256x1024xf32>
    %swap3A_104 = arith.constant 0 : index
    %swap3A_105 = arith.constant 0 : index
    %swap3A_106 = vector.load %arg7[%swap3A_104, %swap3A_105] : memref<256x1024xf32, #tpu.memory_space<vmem>>, vector<256x1024xf32>
    tpu.vector_store %arg7[%swap3A_104, %swap3A_105], %dot_general3A_103 {strides = array<i32>} : memref<256x1024xf32, #tpu.memory_space<vmem>>, vector<256x1024xf32>,
    return
  }
  func.func @transform_0(%arg0: i32) -> (i32, i32) {
    %c0_i32 = arith.constant 0 : i32
    %c0_i32_0 = arith.constant 0 : i32
    return %arg0, %c0_i32 : i32, i32
  }
  func.func @transform_1(%arg0: i32) -> (i32, i32) {
    %c0_i32 = arith.constant 0 : i32
    %c0_i32_0 = arith.constant 0 : i32
    %c0_i32_1 = arith.constant 0 : i32
    return %c0_i32, %c0_i32_0 : i32, i32
  }
  func.func @transform_2(%arg0: i32) -> (i32, i32) {
    %c0_i32 = arith.constant 0 : i32
    %c0_i32_0 = arith.constant 0 : i32
    %c0_i32_1 = arith.constant 0 : i32
    return %c0_i32, %c0_i32_0 : i32, i32
  }
  func.func @transform_3(%arg0: i32) -> (i32, i32) {
    %c0_i32 = arith.constant 0 : i32
    %c0_i32_0 = arith.constant 0 : i32
    %c0_i32_1 = arith.constant 0 : i32
    return %c0_i32, %c0_i32_0 : i32, i32
  }
  func.func @transform_4(%arg0: i32) -> (i32, i32) {
    %c0_i32 = arith.constant 0 : i32
    %c0_i32_0 = arith.constant 0 : i32
    %c0_i32_1 = arith.constant 0 : i32
    return %c0_i32, %c0_i32_0 : i32, i32
  }
  func.func @transform_5(%arg0: i32) -> (i32, i32) {
    %c0_i32 = arith.constant 0 : i32
    %c0_i32_0 = arith.constant 0 : i32
    %c0_i32_1 = arith.constant 0 : i32
    return %c0_i32, %c0_i32_0 : i32, i32
  }
  func.func @transform_6(%arg0: i32) -> (i32, i32) {
    %c0_i32 = arith.constant 0 : i32
    %c0_i32_0 = arith.constant 0 : i32
    return %arg0, %c0_i32 : i32, i32
  }
  func.func @transform_7(%arg0: i32) -> (i32, i32, i32) {
    %c0_i32 = arith.constant 0 : i32
    %c0_i32_0 = arith.constant 0 : i32
    %c0_i32_1 = arith.constant 0 : i32
    return %arg0, %c0_i32, %c0_i32_0 : i32, i32, i32
  }
  func.func @transform_8(%arg0: i32) -> (i32, i32, i32) {
    %c0_i32 = arith.constant 0 : i32
    %c0_i32_0 = arith.constant 0 : i32
    %c0_i32_1 = arith.constant 0 : i32
    return %arg0, %c0_i32, %c0_i32_0 : i32, i32, i32
  }
  func.func @transform_9(%arg0: i32) -> (i32, i32, i32) {
    %c0_i32 = arith.constant 0 : i32
    %c0_i32_0 = arith.constant 0 : i32
    %c0_i32_1 = arith.constant 0 : i32
    return %arg0, %c0_i32, %c0_i32_0 : i32, i32, i32
  }
  func.func @transform_10(%arg0: i32) -> (i32, i32, i32) {
    %c0_i32 = arith.constant 0 : i32
    %c0_i32_0 = arith.constant 0 : i32
    %c0_i32_1 = arith.constant 0 : i32
    return %arg0, %c0_i32, %c0_i32_0 : i32, i32, i32
  }
}

module attributes {stable_mosaic.version = 14 : i64} {
  func.func @_group_body(%arg0: i32, %arg1: memref<128xi32, #tpu.memory_space<smem>>, %arg2: memref<64x1024xf32, #tpu.memory_space<vmem>>, %arg3: memref<1x1024x512xf32, #tpu.memory_space<vmem>>, %arg4: memref<1x1024x512xf32, #tpu.memory_space<vmem>>, %arg5: memref<1x512x1024xf32, #tpu.memory_space<vmem>>, %arg6: memref<1x64x1xf32, #tpu.memory_space<vmem>>, %arg7: memref<64x1024xf32, #tpu.memory_space<vmem>>) attributes {dimension_semantics = [#tpu.dimension_semantics<arbitrary>], iteration_bounds = array<i64: 128>, scalar_prefetch = 1 : i64, scratch_operands = 0 : i64, tpu.core_type = #tpu.core_type<tc>, window_params = [{transform_indices = @transform_0, window_bounds = array<i64: 64, 1024>}, {transform_indices = @transform_1, window_bounds = array<i64: 1, 1024, 512>}, {transform_indices = @transform_2, window_bounds = array<i64: 1, 1024, 512>}, {transform_indices = @transform_3, window_bounds = array<i64: 1, 512, 1024>}, {transform_indices = @transform_4, window_bounds = array<i64: 1, 64, 1>}, {transform_indices = @transform_5, window_bounds = array<i64: 64, 1024>}]} {
    %get3A = arith.constant 0 : index
    %get3A_0 = arith.constant 0 : index
    %get3A_1 = vector.load %arg2[%get3A, %get3A_0] : memref<64x1024xf32, #tpu.memory_space<vmem>>, vector<64x1024xf32>
    %convert_element_type3A = arith.truncf %get3A_1 : vector<64x1024xf32> to vector<64x1024xbf16>
    %get3A_2 = arith.constant 0 : index
    %get3A_3 = arith.constant 0 : index
    %get3A_4 = arith.constant 0 : index
    %get3A_5 = vector.load %arg3[%get3A_2, %get3A_3, %get3A_4] : memref<1x1024x512xf32, #tpu.memory_space<vmem>>, vector<1x1024x512xf32>
    %get3A_6 = vector.shape_cast %get3A_5 : vector<1x1024x512xf32> to vector<1024x512xf32>
    %convert_element_type3A_7 = arith.truncf %get3A_6 : vector<1024x512xf32> to vector<1024x512xbf16>
    %get3A_8 = arith.constant 0 : index
    %get3A_9 = arith.constant 0 : index
    %get3A_10 = arith.constant 0 : index
    %get3A_11 = vector.load %arg4[%get3A_8, %get3A_9, %get3A_10] : memref<1x1024x512xf32, #tpu.memory_space<vmem>>, vector<1x1024x512xf32>
    %get3A_12 = vector.shape_cast %get3A_11 : vector<1x1024x512xf32> to vector<1024x512xf32>
    %convert_element_type3A_13 = arith.truncf %get3A_12 : vector<1024x512xf32> to vector<1024x512xbf16>
    %dot_general3A = arith.constant dense<0.000000e+00> : vector<64x512xf32>
    %dot_general3A_14 = tpu.matmul %convert_element_type3A, %convert_element_type3A_7, %dot_general3A {dimension_numbers = #tpu.dot_dimension_numbers<[1], [0], [0], [1], [0, 0, 1, 1], [], []>, transpose_lhs_hint = false} : vector<64x1024xbf16>, vector<1024x512xbf16>, vector<64x512xf32> -> vector<64x512xf32>
    %dot_general3A_15 = arith.constant dense<0.000000e+00> : vector<64x512xf32>
    %dot_general3A_16 = tpu.matmul %convert_element_type3A, %convert_element_type3A_13, %dot_general3A_15 {dimension_numbers = #tpu.dot_dimension_numbers<[1], [0], [0], [1], [0, 0, 1, 1], [], []>, transpose_lhs_hint = false} : vector<64x1024xbf16>, vector<1024x512xbf16>, vector<64x512xf32> -> vector<64x512xf32>
    %logistic3A = arith.negf %dot_general3A_14 : vector<64x512xf32>
    %logistic3A_17 = math.exp %logistic3A : vector<64x512xf32>
    %logistic3A_18 = arith.constant 1.000000e+00 : f32
    %logistic3A_19 = vector.broadcast %logistic3A_18 : f32 to vector<64x512xf32>
    %logistic3A_20 = arith.addf %logistic3A_19, %logistic3A_17 : vector<64x512xf32>
    %logistic3A_21 = arith.divf %logistic3A_19, %logistic3A_20 : vector<64x512xf32>
    %mul3A = arith.mulf %dot_general3A_14, %logistic3A_21 : vector<64x512xf32>
    %mul3A_22 = arith.mulf %mul3A, %dot_general3A_16 : vector<64x512xf32>
    %convert_element_type3A_23 = arith.truncf %mul3A_22 : vector<64x512xf32> to vector<64x512xbf16>
    %get3A_24 = arith.constant 0 : index
    %get3A_25 = arith.constant 0 : index
    %get3A_26 = arith.constant 0 : index
    %get3A_27 = vector.load %arg5[%get3A_24, %get3A_25, %get3A_26] : memref<1x512x1024xf32, #tpu.memory_space<vmem>>, vector<1x512x1024xf32>
    %get3A_28 = vector.shape_cast %get3A_27 : vector<1x512x1024xf32> to vector<512x1024xf32>
    %convert_element_type3A_29 = arith.truncf %get3A_28 : vector<512x1024xf32> to vector<512x1024xbf16>
    %dot_general3A_30 = arith.constant dense<0.000000e+00> : vector<64x1024xf32>
    %dot_general3A_31 = tpu.matmul %convert_element_type3A_23, %convert_element_type3A_29, %dot_general3A_30 {dimension_numbers = #tpu.dot_dimension_numbers<[1], [0], [0], [1], [0, 0, 1, 1], [], []>, transpose_lhs_hint = false} : vector<64x512xbf16>, vector<512x1024xbf16>, vector<64x1024xf32> -> vector<64x1024xf32>
    %get3A_32 = arith.constant 0 : index
    %get3A_33 = arith.constant 0 : index
    %get3A_34 = arith.constant 0 : index
    %get3A_35 = vector.load %arg6[%get3A_32, %get3A_33, %get3A_34] : memref<1x64x1xf32, #tpu.memory_space<vmem>>, vector<1x64x1xf32>
    %get3A_36 = vector.shape_cast %get3A_35 : vector<1x64x1xf32> to vector<64x1xf32>
    %mul3A_37 = vector.broadcast %get3A_36 : vector<64x1xf32> to vector<64x1024xf32>
    %mul3A_38 = arith.mulf %dot_general3A_31, %mul3A_37 : vector<64x1024xf32>
    %swap3A = arith.constant 0 : index
    %swap3A_39 = arith.constant 0 : index
    %swap3A_40 = vector.load %arg7[%swap3A, %swap3A_39] : memref<64x1024xf32, #tpu.memory_space<vmem>>, vector<64x1024xf32>
    tpu.vector_store %arg7[%swap3A, %swap3A_39], %mul3A_38 {strides = array<i32>} : memref<64x1024xf32, #tpu.memory_space<vmem>>, vector<64x1024xf32>,
    return
  }
  func.func @transform_0(%arg0: i32, %arg1: memref<128xi32, #tpu.memory_space<smem>>) -> (i32, i32) {
    %c0_i32 = arith.constant 0 : i32
    %c0_i32_0 = arith.constant 0 : i32
    return %arg0, %c0_i32 : i32, i32
  }
  func.func @transform_1(%arg0: i32, %arg1: memref<128xi32, #tpu.memory_space<smem>>) -> (i32, i32, i32) {
    %get3A = arith.index_cast %arg0 : i32 to index
    %get3A_0 = memref.load %arg1[%get3A] : memref<128xi32, #tpu.memory_space<smem>>
    %c0_i32 = arith.constant 0 : i32
    %c0_i32_1 = arith.constant 0 : i32
    %c0_i32_2 = arith.constant 0 : i32
    return %get3A_0, %c0_i32, %c0_i32_1 : i32, i32, i32
  }
  func.func @transform_2(%arg0: i32, %arg1: memref<128xi32, #tpu.memory_space<smem>>) -> (i32, i32, i32) {
    %get3A = arith.index_cast %arg0 : i32 to index
    %get3A_0 = memref.load %arg1[%get3A] : memref<128xi32, #tpu.memory_space<smem>>
    %c0_i32 = arith.constant 0 : i32
    %c0_i32_1 = arith.constant 0 : i32
    %c0_i32_2 = arith.constant 0 : i32
    return %get3A_0, %c0_i32, %c0_i32_1 : i32, i32, i32
  }
  func.func @transform_3(%arg0: i32, %arg1: memref<128xi32, #tpu.memory_space<smem>>) -> (i32, i32, i32) {
    %get3A = arith.index_cast %arg0 : i32 to index
    %get3A_0 = memref.load %arg1[%get3A] : memref<128xi32, #tpu.memory_space<smem>>
    %c0_i32 = arith.constant 0 : i32
    %c0_i32_1 = arith.constant 0 : i32
    %c0_i32_2 = arith.constant 0 : i32
    return %get3A_0, %c0_i32, %c0_i32_1 : i32, i32, i32
  }
  func.func @transform_4(%arg0: i32, %arg1: memref<128xi32, #tpu.memory_space<smem>>) -> (i32, i32, i32) {
    %c0_i32 = arith.constant 0 : i32
    %c0_i32_0 = arith.constant 0 : i32
    %c0_i32_1 = arith.constant 0 : i32
    return %arg0, %c0_i32, %c0_i32_0 : i32, i32, i32
  }
  func.func @transform_5(%arg0: i32, %arg1: memref<128xi32, #tpu.memory_space<smem>>) -> (i32, i32) {
    %c0_i32 = arith.constant 0 : i32
    %c0_i32_0 = arith.constant 0 : i32
    return %arg0, %c0_i32 : i32, i32
  }
}

module attributes {stable_mosaic.version = 14 : i64} {
  func.func @_add3_body(%arg0: i32, %arg1: memref<256x1024xf32, #tpu.memory_space<vmem>>, %arg2: memref<256x1024xf32, #tpu.memory_space<vmem>>, %arg3: memref<256x1024xf32, #tpu.memory_space<vmem>>, %arg4: memref<256x1024xf32, #tpu.memory_space<vmem>>) attributes {dimension_semantics = [#tpu.dimension_semantics<arbitrary>], iteration_bounds = array<i64: 8>, scalar_prefetch = 0 : i64, scratch_operands = 0 : i64, tpu.core_type = #tpu.core_type<tc>, window_params = [{transform_indices = @transform_0, window_bounds = array<i64: 256, 1024>}, {transform_indices = @transform_1, window_bounds = array<i64: 256, 1024>}, {transform_indices = @transform_2, window_bounds = array<i64: 256, 1024>}, {transform_indices = @transform_3, window_bounds = array<i64: 256, 1024>}]} {
    %get3A = arith.constant 0 : index
    %get3A_0 = arith.constant 0 : index
    %get3A_1 = vector.load %arg1[%get3A, %get3A_0] : memref<256x1024xf32, #tpu.memory_space<vmem>>, vector<256x1024xf32>
    %get3A_2 = arith.constant 0 : index
    %get3A_3 = arith.constant 0 : index
    %get3A_4 = vector.load %arg2[%get3A_2, %get3A_3] : memref<256x1024xf32, #tpu.memory_space<vmem>>, vector<256x1024xf32>
    %add3A = arith.addf %get3A_1, %get3A_4 : vector<256x1024xf32>
    %get3A_5 = arith.constant 0 : index
    %get3A_6 = arith.constant 0 : index
    %get3A_7 = vector.load %arg3[%get3A_5, %get3A_6] : memref<256x1024xf32, #tpu.memory_space<vmem>>, vector<256x1024xf32>
    %add3A_8 = arith.addf %add3A, %get3A_7 : vector<256x1024xf32>
    %swap3A = arith.constant 0 : index
    %swap3A_9 = arith.constant 0 : index
    %swap3A_10 = vector.load %arg4[%swap3A, %swap3A_9] : memref<256x1024xf32, #tpu.memory_space<vmem>>, vector<256x1024xf32>
    tpu.vector_store %arg4[%swap3A, %swap3A_9], %add3A_8 {strides = array<i32>} : memref<256x1024xf32, #tpu.memory_space<vmem>>, vector<256x1024xf32>,
    return
  }
  func.func @transform_0(%arg0: i32) -> (i32, i32) {
    %c0_i32 = arith.constant 0 : i32
    %c0_i32_0 = arith.constant 0 : i32
    return %arg0, %c0_i32 : i32, i32
  }
  func.func @transform_1(%arg0: i32) -> (i32, i32) {
    %c0_i32 = arith.constant 0 : i32
    %c0_i32_0 = arith.constant 0 : i32
    return %arg0, %c0_i32 : i32, i32
  }
  func.func @transform_2(%arg0: i32) -> (i32, i32) {
    %c0_i32 = arith.constant 0 : i32
    %c0_i32_0 = arith.constant 0 : i32
    return %arg0, %c0_i32 : i32, i32
  }
  func.func @transform_3(%arg0: i32) -> (i32, i32) {
    %c0_i32 = arith.constant 0 : i32
    %c0_i32_0 = arith.constant 0 : i32
    return %arg0, %c0_i32 : i32, i32
  }
}

</mosaic_0001>

<sc_bundles>
// kernel: gather_offload_async_start
scs
__scs_entry_jumppad:
0x0: {  	(pc) =	sbr.rel $0x88, $3  }
0x1: {  	(tag) =	ssettag $0x0;
	lr =	simm.s32 $0x1  }
0x2: {  	[smem:$0x3F98] =	sst lr;
	_ =	strace $0xD0000000  }
0x3: {  	_ = 	snop  }
0x4: {  	_ = 	snop  }
0x5: {  	_ = 	snop  }
0x6: {  	_ = 	snop  }
0x7: {  	_ = 	snop  }
__scs_overlays_trampoline_lowered:
0x8: {  	[smem:$0x3FA7] =	sst s0  }
0x9: {  	[smem:$0x3FA8] =	sst s1  }
0xa: {  	[smem:$0x3FA9] =	sst s2  }
0xb: {  	[smem:$0x3FAA] =	sst s3  }
0xc: {  	[smem:$0x3FAB] =	sst s4  }
0xd: {  	[smem:$0x3FAC] =	sst s5  }
0xe: {  	[smem:$0x3FAD] =	sst s6  }
0xf: {  	[smem:$0x3FAE] =	sst s7  }
0x10: {  	[smem:$0x3FAF] =	sst s8  }
0x11: {  	[smem:$0x3FB0] =	sst s9;
	s0 =	simm.s32 @!p0 $0x0  }
0x12: {  	s1 =	sld [smem:$0x3F96];
	s0 =	simm.s32 @p0 $0x1  }
0x13: {  	[smem:$0x3FB1] =	sst s0;
	s0 =	simm.s32 @!p1 $0x0  }
0x14: {  	s2 =	sld [smem:$0x3F95];
	s0 =	simm.s32 @p1 $0x1  }
0x15: {  	[smem:$0x3FB2] =	sst s0;
	s0 =	simm.s32 @!p2 $0x0  }
0x16: {  	s3 =	sld [smem:$0x3FDB];
	s0 =	simm.s32 @p2 $0x1  }
0x17: {  	s4 =	simm.s32 $0x1BF5;
	[smem:$0x3FB4] =	sst s0  }
0x18: {  	s0 =	sld [smem:$0x3F97];
	_ =	swait.ge [sflag:s4], $0x0  }
0x19: {  	s7 =	sld [smem:$0x3F98]  }
0x1a: {  	s8 =	sadd.s32 $0xFFFFE003, lr  }
0x1b: {  	s9 =	sadd.s32 $0xFFFFFEF7, lr;
	s5 =	simm.s32 $0xFFFFFFFF;
	p2 =	slt.u32 s8, $0xFFFFF086  }
0x1c: {  	p1 =	slt.u32 s9, $0xF7A;
	s5 =	simm.s32 @!p2 $0x0  }
0x1d: {  	s5 =	simm.s32 @p1 $0x1;
	p0 =	seq.s32 s7, s2  }
0x1e: {  	s7 =	smul.u32 @!p0 $0xF7A, s2;
	p2 =	seq.s32 @!p0 s5, $0x0  }
0x1f: {  	s9 =	smul.u32 $0xF7A, s1;
	s8 =	simm.s32 @!p0 $0x1BF5;
	p2 =	por !p2, p0  }
0x20: {  	[sflag:s8] =	ssyncset.s32 @!p0 $0xFFFFF086;
	s6 =	sadd.s32 @!p0 s3, s7;
	s7 =	simm.s32 @!p0 $0x108  }
0x21: {  	s3 =	sadd.s32 s3, s9;
	s6 =	sadd.s32 @!p0 $0x88, s6;
	s7 =	simm.s32 @p2 $0x1082  }
0x22: {  	[simem:s7], [sflag:s8] =	dma.local @!p0 [hbm:s6], $0xF7A  }
0x23: {  	s9 =	sor.u32 $0xD0000000, s2;
	s6 =	simm.s32 $0x108;
	_ =	swait.ge @!p0 [sflag:s8], $0x0  }
0x24: {  	s3 =	sadd.s32 $0x88, s3;
	s6 =	simm.s32 @!p1 $0x1082;
	[sflag:s4] =	ssyncset.s32 $0xFFFFF086  }
0x25: {  	[simem:s6], [sflag:s4] =	dma.local [hbm:s3], $0xF7A  }
0x26: {  	[smem:$0x3F98] =	sst s1;
	(tag) =	ssettag s2;
	_ =	strace s9  }
0x27: {  	s1 =	sld [smem:$0x3FA8]  }
0x28: {  	s2 =	sld [smem:$0x3FA9]  }
0x29: {  	s4 =	sld [smem:$0x3FAB]  }
0x2a: {  	p0 =	seq.s32 s5, $0x0;
	s5 =	sld [smem:$0x3FAC]  }
0x2b: {  	s6 =	sld [smem:$0x3FAD]  }
0x2c: {  	s7 =	sld [smem:$0x3FAE]  }
0x2d: {  	s3 =	simm.s32 $0x108;
	s8 =	sld [smem:$0x3FAF]  }
0x2e: {  	s3 =	simm.s32 @!p0 $0x1082;
	s9 =	sld [smem:$0x3FB0]  }
0x2f: {  	lr =	sadd.s32 s0, s3;
	s0 =	sld [smem:$0x3FA7]  }
0x30: {  	s3 =	sld [smem:$0x3FAA]  }
0x31: {  	[smem:$0x3FB3] =	sst s10  }
0x32: {  	s10 =	sld [smem:$0x3FB1];
	_ =	sdelay $0x3  }
0x33: {  	p0 =	seq.s32 s10, $0x1;
	s10 =	sld [smem:$0x3FB3];
	_ =	sdelay $0x3  }
0x34: {  	[smem:$0x3FB3] =	sst s10  }
0x35: {  	s10 =	sld [smem:$0x3FB2];
	_ =	sdelay $0x3  }
0x36: {  	p1 =	seq.s32 s10, $0x1;
	s10 =	sld [smem:$0x3FB3];
	_ =	sdelay $0x3  }
0x37: {  	[smem:$0x3FB3] =	sst s10  }
0x38: {  	s10 =	sld [smem:$0x3FB4]  }
0x39: {  	_ = 	snop;
	(pc) =	sbr.ind lr, $3  }
0x3a: {  	_ = 	snop  }
0x3b: {  	_ = 	snop  }
0x3c: {  	p2 =	seq.s32 s10, $0x1;
	s10 =	sld [smem:$0x3FB3]  }
0x3d: {  	_ =	shalt  }
0x3e: {  	_ =	shalt  }
0x3f: {  	_ =	shalt  }
0x40: {  	_ =	shalt  }
0x41: {  	_ =	shalt  }
0x42: {  	_ =	shalt  }
0x43: {  	_ =	shalt  }
0x44: {  	_ =	shalt  }
0x45: {  	_ =	shalt  }
0x46: {  	_ =	shalt  }
0x47: {  	_ =	shalt  }
0x48: {  	_ =	shalt  }
0x49: {  	_ =	shalt  }
0x4a: {  	_ =	shalt  }
0x4b: {  	_ =	shalt  }
0x4c: {  	_ =	shalt  }
0x4d: {  	_ =	shalt  }
0x4e: {  	_ =	shalt  }
0x4f: {  	_ =	shalt  }
0x50: {  	_ =	shalt  }
0x51: {  	_ =	shalt  }
0x52: {  	_ =	shalt  }
0x53: {  	_ =	shalt  }
0x54: {  	_ =	shalt  }
0x55: {  	_ =	shalt  }
0x56: {  	_ =	shalt  }
0x57: {  	_ =	shalt  }
0x58: {  	_ =	shalt  }
0x59: {  	_ =	shalt  }
0x5a: {  	_ =	shalt  }
0x5b: {  	_ =	shalt  }
0x5c: {  	_ =	shalt  }
0x5d: {  	_ =	shalt  }
0x5e: {  	_ =	shalt  }
0x5f: {  	_ =	shalt  }
0x60: {  	_ =	shalt  }
0x61: {  	_ =	shalt  }
0x62: {  	_ =	shalt  }
0x63: {  	_ =	shalt  }
0x64: {  	_ =	shalt  }
0x65: {  	_ =	shalt  }
0x66: {  	_ =	shalt  }
0x67: {  	_ =	shalt  }
0x68: {  	_ =	shalt  }
0x69: {  	_ =	shalt  }
0x6a: {  	_ =	shalt  }
0x6b: {  	_ =	shalt  }
0x6c: {  	_ =	shalt  }
0x6d: {  	_ =	shalt  }
0x6e: {  	_ =	shalt  }
0x6f: {  	_ =	shalt  }
0x70: {  	_ =	shalt  }
0x71: {  	_ =	shalt  }
0x72: {  	_ =	shalt  }
0x73: {  	_ =	shalt  }
0x74: {  	_ =	shalt  }
0x75: {  	_ =	shalt  }
0x76: {  	_ =	shalt  }
0x77: {  	_ =	shalt  }
0x78: {  	_ =	shalt  }
0x79: {  	_ =	shalt  }
0x7a: {  	_ =	shalt  }
0x7b: {  	_ =	shalt  }
0x7c: {  	_ =	shalt  }
0x7d: {  	_ =	shalt  }
0x7e: {  	_ =	shalt  }
0x7f: {  	_ =	shalt  }
0x80: {  	_ =	shalt  }
0x81: {  	_ =	shalt  }
0x82: {  	_ =	shalt  }
0x83: {  	_ =	shalt  }
0x84: {  	_ =	shalt  }
0x85: {  	_ =	shalt  }
0x86: {  	_ =	shalt  }
0x87: {  	_ =	shalt  }
.Lfunc_end0:
.L_simem_size_0:
called_computation_lowered:
.L_overlay_start_0:
0x88: {  	s2 =	sld [smem:$0x3FD9]  }
0x89: {  	s3 =	sld [smem:$0x3FFE];
	_ =	sdelay $0x1  }
0x8a: {  	s1 =	srdreg.scid  }
0x8b: {  	s0 =	sand.u32 $0x1, s1  }
0x8c: {  	s16 =	sshll.u32 s0, $0xA;
	s2 =	sadd.s32 s3, s2  }
0x8d: {  	s2 =	sadd.s32 s2, s16  }
0x8e: {  	[smem:$0x3FBF] =	sst s2  }
0x8f: {  	_ = 	snop  }
0x90: {  	(tm) =	ssettm $0x1  }
0x91: {  	s17 =	sld [smem:$0x3FFB];
	_ =	sdelay $0x3  }
0x92: {  	_ =	strace s17  }
0x93: {  	s2 =	sld [smem:$0x3FFC];
	_ =	sdelay $0x3  }
0x94: {  	_ =	strace s2  }
0x95: {  	s2 =	sld [smem:$0x3FFD];
	_ =	sdelay $0x3  }
0x96: {  	_ =	strace s2  }
0x97: {  	_ =	strace $0x8FFFFFFF  }
0x98: {  	s18 =	sld [smem:$0x3FDB];
	_ =	sdelay $0x1  }
0x99: {  	s19 =	simm.s32 $_scs_section_size  }
0x9a: {  	s4 =	simm.s32 $_size__tile_overlayer_lowered;
	s5 =	simm.s32 $_tile_overlayer_lowered  }
0x9b: {  	s22 =	simm.s32 $0x1BFF;
	s21 =	sshll.u32 s5, $0x1;
	s2 =	sadd.s32 s19, s18  }
0x9c: {  	s6 =	simm.s32 $0x0;
	s20 =	sshll.u32 s4, $0x1;
	s4 =	sadd.s32 s21, s2  }
0x9d: {  	[timem:s6], [sflag:s22] =	dma.local [hbm:s4], s20  }
0x9e: {  	_ =	swait.ge [sflag:s22], s20  }
0x9f: {  	s3 =	ssub.s32 $0x0, s20;
	[sflag:s22] =	ssyncset.done $0x0  }
0xa0: {  	[sflag:s22] =	ssyncadd.s32 s3;
	_ =	sdelay $0x1  }
0xa1: {  	s23 =	simm.s32 $0x1B8B  }
0xa2: {  	_ =	swait.ge [sflag:s23], $0x1  }
0xa3: {  	[sflag:s23] =	ssyncset.done $0x0  }
0xa4: {  	s25 =	simm.s32 $0x1B8E;
	s24 =	sld [smem:$0x3FFE];
	[sflag:s23] =	ssyncadd.s32 $0xFFFFFFFF  }
0xa5: {  	s26 =	simm.s32 $execute0_lowered;
	[smem:$0x3FD2] =	sst s25  }
0xa6: {  	s4 =	sshll.u32 s26, $0x1;
	_ =	strace $0x80000046;
	[dreg:$0x1] =	wrdreg $0xFFFFFFFF  }
0xa7: {  	s28 =	simm.s32 $_size_execute0_lowered;
	s2 =	sadd.s32 s2, s4;
	[dreg:$0x0] =	wrdreg $0x0  }
0xa8: {  	s4 =	sshll.u32 s28, $0x1;
	[dreg:$0x2] =	wrdreg s2  }
0xa9: {  	[dreg:$0x3] =	wrdreg s4  }
0xaa: {  	[dreg:$0x4] =	wrdreg $0xC0  }
0xab: {  	_ =	task [dreg:s6], $0x5FFFF  }
0xac: {  	[dreg:$0x1] =	wrdreg $0xFFFFFFFF  }
0xad: {  	[dreg:$0x0] =	wrdreg $0x60  }
0xae: {  	[dreg:$0x2] =	wrdreg s24  }
0xaf: {  	[dreg:$0x3] =	wrdreg $0x9  }
0xb0: {  	_ =	task.clear_ibuf [dreg:s6], $0x4FFFF;
	_ =	strace $0x90000046  }
0xb1: {  	s29 =	simm.s32 $0x9;
	_ =	strace $0x80000048  }
0xb2: {  	_ =	swait.ge [sflag:s29], $0x1  }
0xb3: {  	[sflag:s29] =	ssyncadd.s32 $0xFFFFFFFF  }
0xb4: {  	_ =	strace $0x90000048  }
0xb5: {  	_ =	sfence  }
0xb6: {  	s30 =	sld [smem:$0x0];
	_ =	sdelay $0x2  }
0xb7: {  	s31 =	sshll.u32 s1, $0xD;
	s1 =	sshrl.u32 s1, $0x2  }
0xb8: {  	s3 =	sand.u32 $0x4000, s31;
	s1 =	sadd.s32 s1, s30  }
0xb9: {  	s0 =	sor.u32 s3, s0;
	s1 =	sshll.u32 s1, $0x11  }
0xba: {  	s0 =	sor.u32 s1, s0  }
0xbb: {  	s0 =	sadd.s32 $0x8F2B, s0  }
0xbc: {  	[sflag:s0] =	ssyncadd.remote.s32 $0x1  }
0xbd: {  	_ =	sfence.sel $0xFFFF  }
0xbe: {  	[dreg:$0x0] =	wrdreg $0xFFFFFFFF;
	(pc) =	sbr.abs _section_cstart, $3  }
0xbf: {  	[dreg:$0x1] =	wrdreg $0xFFFFFFFF  }
0xc0: {  	_ =	task.clear_ibuf [dreg:s6], $0x2FFFF;
	_ =	strace $0x9FFFFFFF  }
0xc1: {  	(tm) =	ssettm $0x7FFFFFFF  }
tec
execute0_lowered:
.L_overlay_start_1:
0x0: {  	(tag) =	ssettag $0x1  }
0x1: {  	s1 =	srdreg.scid  }
0x2: {  	s0 =	stileid.u32;
	s2 =	rddreg [dreg:$0x0];
	s6 =	simm.s32 $0x1  }
0x3: {  	s9 =	simm.s32 $0x1;
	s10 =	simm.s32 $0x3;
	s1 =	sshll.u32 s1, $0x6  }
0x4: {  	s13 =	simm.s32 $0x0;
	s3 =	sshll.u32 s0, $0x7;
	s4 =	sand.u32 $0x40, s1  }
0x5: {  	s12 =	simm.s32 $0x0;
	s5 =	sadd.s32 $0x12600, s2;
	s3 =	sor.u32 s3, s4  }
0x6: {  	s1 =	rddreg [dreg:$0x1];
	_ =	strace $0x80000047;
	s8 =	ssub.s32 $0x1000, s3  }
.Ltmp0:
0x7: {  	s4 =	sadd.s32 $0x10000, s2;
	s7 =	sand.u32 $0x7C0, s8;
	(pc) =	sbr.rel .LBB2_1-.Ltmp0, $4  }
0x8: {  	[sflag:s6] =	ssyncpa.u1 $0x0;
	s11 =	smov.u32 s3;
	p0 =	sne.s32 s7, $0x0  }
0x9: {  	s8 =	sshrl.u32 s8, $0xB;
	s7 =	simm.s32 $0x2;
	s9 =	simm.s32 @!p0 $0x0  }
0xa: {  	[sflag:s7] =	ssyncpa.u1 $0x0;
	p0 =	por $0x0, $0x0;
	s8 =	sadd.s32 s9, s8  }
0xb: {  	vm0 =	vmmov $0xffff;
	[sflag:s10] =	ssyncpa.u1 $0x0;
	s10 =	simm.s32 $0x0;
	s9 =	sadd.s32 $0x1, s8  }
.LBB2_4:
0xc: {  	v5 =	vshrl.u32 v1, $0xC;
	v6 =	vshll.u32 v1, $0x7  }
0xd: {  	vm1 =	veq.s32 v1, $0x80000000;
	v58 =	vand.u32 $0x3F, v5;
	v59 =	vand.u32 $0x7FF80, v6  }
0xe: {  	v1 =	vsel vm1, $0xFFFFFFFF, v58;
	v5 =	vsel vm1, $0xFFFFFF80, v59  }
0xf: {  	v3 =	vor.u32 v4, v3;
	v60 =	vand.u32 $0xFFFFFC00, v5;
	v61 =	vand.u32 $0xFFFFFC00, v1  }
0x10: {  	v2 =	vor.u32 v2, v3;
	v63 =	vand.u32 $0x380, v5;
	v62 =	vadd.s32 v61, v60  }
0x11: {  	v1 =	vand.u32 $0x7F, v1;
	v3 =	vor.u32 v63, v62  }
0x12: {  	v1 =	vor.u32 v1, v3  }
0x13: {  	[tilespmem:s15], [sflag:$0x1] =	stream.indirect_vreg.gather [hbm4b:s2+s10], $0x1, v0, vm0, $0x4038;
	[tilespmem:$0x100] =	vst v63  }
0x14: {  	(ifvalue) =	ssetifvalue $0x7FFFFFFF  }
0x15: {  	[tilespmem:s16], [sflag:$0x1] =	stream.indirect_vreg.gather [hbm4b:s2+s10], $0x1, v2, vm0, $0x4038;
	[tilespmem:$0x100] =	vst v63  }
0x16: {  	s29 =	sadd.s32 $0x10, s16;
	(ifvalue) =	ssetifvalue $0x7FFFFFFF  }
0x17: {  	[tilespmem:s29], [sflag:$0x1] =	stream.indirect_vreg.gather [hbm4b:s2+s10], $0x1, v1, vm0, $0x4038;
	[tilespmem:$0x100] =	vst v63  }
0x18: {  	_ =	swait.ge [sflag:s6], $0x40  }
0x19: {  	s30 =	sshrl.u32 s13, $0x3;
	[sflag:s6] =	ssyncset.done $0x0  }
0x1a: {  	s31 =	sand.u32 $0x7, s13;
	s15 =	sadd.s32 s5, s30;
	[sflag:s6] =	ssyncadd.s32 $0xFFFFFFC0  }
0x1b: {  	[hbm4b:s15+s31] =	stream.linear.scatter [tilespmem:s14], [sflag:$0x3], $0x40, $0x38;
	[tilespmem:$0x100] =	vst v63  }
.LBB2_5:
0x1c: {  	s15 =	sadd.s32 $0x800, s11  }
0x1d: {  	p2 =	sgt.s32 s15, $0xFFF  }
0x1e: {  	s15 =	smov.u32 @p2 s3;
	p2 =	sne.s32 s12, s9  }
.Ltmp1:
0x1f: {  	p1 =	slt.u32 s12, $0x2;
	(pc) =	sbr.rel @!p2 .LBB2_6-.Ltmp1, $4  }
0x20: {  	s14 =	simm.s32 @!p1 $0x3  }
0x21: {  	s16 =	sadd.s32 $0x1, s12;
	_ =	swait.ge @!p1 [sflag:s14], $0x40  }
0x22: {  	s13 =	smov.u32 s11;
	p0 =	por !p0, !p0;
	[sflag:s14] =	ssyncset.done @!p1 $0x0  }
0x23: {  	s12 =	smov.u32 s16;
	s11 =	smov.u32 s15;
	[sflag:s14] =	ssyncadd.s32 @!p1 $0xFFFFFFC0  }
.LBB2_1:
0x24: {  	p1 =	sge.u32 s12, s8  }
0x25: {  	s14 =	sxor.u32 @!p1 $0xFFFFFFFF, s12  }
0x26: {  	s31 =	sadd.s32 $0xFFFFFFFF, s12;
	s15 =	sshrl.u32 @!p1 s11, $0x3;
	s14 =	sshll.u32 @!p1 s14, $0x6  }
0x27: {  	s16 =	sand.u32 @!p1 $0x7, s11;
	s15 =	sadd.s32 @!p1 s4, s15;
	s14 =	sand.u32 @!p1 $0x40, s14  }
0x28: {  	[tilespmem:s14], [sflag:$0x2] =	stream.linear.gather @!p1 [hbm4b:s15+s16], $0x40, $0x38;
	[tilespmem:$0x100] =	vst v63  }
0x29: {  	p1 =	sge.u32 s31, s8  }
.Ltmp2:
0x2a: {  	_ = 	snop;
	(pc) =	sbr.rel @p1 .LBB2_5-.Ltmp2, $1  }
0x2b: {  	_ =	sdelay $0x3  }
0x2c: {  	s14 =	simm.s32 $0x1  }
0x2d: {  	_ =	swait.ge [sflag:s7], $0x40;
	s14 =	simm.s32 @!p0 $0x0  }
0x2e: {  	[sflag:s7] =	ssyncset.done $0x0;
	s14 =	sshll.u32 s14, $0x6  }
0x2f: {  	[sflag:s7] =	ssyncadd.s32 $0xFFFFFFC0;
	(ifvalue) =	ssetifvalue $0x7FFFFFFF;
	v0 =	vld.msk [tilespmem:s14+$0x0 ss:$0x1], $0xffff;
	_ =	sdelay $0x4  }
0x30: {  	s15 =	sadd.s32 $0x10, s14;
	v2 =	vshrl.u32 v0, $0xC;
	v3 =	vshll.u32 v0, $0x7  }
0x31: {  	v1 =	vld.msk [tilespmem:s15+$0x0 ss:$0x1], $0xffff;
	vm1 =	veq.s32 v0, $0x80000000;
	v0 =	vand.u32 $0x3F, v2;
	v2 =	vand.u32 $0x7FF80, v3  }
0x32: {  	v0 =	vsel vm1, $0xFFFFFFFF, v0;
	v2 =	vsel vm1, $0xFFFFFF80, v2  }
0x33: {  	v3 =	vand.u32 $0xFFFFFC00, v2;
	v4 =	vand.u32 $0xFFFFFC00, v0  }
0x34: {  	v2 =	vand.u32 $0x380, v2;
	v3 =	vadd.s32 v4, v3  }
0x35: {  	v0 =	vand.u32 $0x7F, v0;
	v2 =	vor.u32 v2, v3  }
0x36: {  	v5 =	vshll.u32 v1, $0x7;
	v4 =	vshrl.u32 v1, $0xC;
	v0 =	vor.u32 v0, v2  }
0x37: {  	s16 =	sshll.u32 s12, $0x6;
	vm1 =	veq.s32 v1, $0x80000000;
	v1 =	vand.u32 $0x3F, v4;
	v4 =	vand.u32 $0x7FF80, v5  }
0x38: {  	s16 =	sand.u32 $0x40, s16;
	s18 =	sadd.s32 $0x10, s15;
	v3 =	vsel vm1, $0xFFFFFFFF, v1;
	v4 =	vsel vm1, $0xFFFFFF80, v4  }
0x39: {  	s17 =	simm.s32 $0x20;
	s15 =	sor.u32 $0x80, s14;
	s14 =	sor.u32 $0x80, s16;
	v1 =	vld.msk [tilespmem:s18+$0x0 ss:$0x1], $0xffff;
	v5 =	vand.u32 $0xFFFFFC00, v4;
	v6 =	vand.u32 $0xFFFFFC00, v3  }
0x3a: {  	s16 =	sadd.s32 $0x10, s15;
	s18 =	sadd.s32 $0x10, s18;
	(ifvalue) =	ssetifvalue $0x7FFFFFFF;
	v2 =	vand.u32 $0x7F, v3;
	v4 =	vand.u32 $0x380, v4;
	v3 =	vadd.s32 v6, v5  }
.LBB2_3:
0x3b: {  	[tilespmem:s15], [sflag:$0x1] =	stream.indirect_vreg.gather [hbm4b:s2+s10], $0x1, v0, vm0, $0x4038;
	[tilespmem:$0x100] =	vst v63  }
0x3c: {  	s17 =	sadd.s32 $0x10, s17  }
0x3d: {  	v3 =	vor.u32 v4, v3;
	p1 =	slt.u32 s17, $0x30  }
.Ltmp3:
0x3e: {  	v4 =	vshrl.u32 v1, $0xC;
	v5 =	vshll.u32 v1, $0x7;
	s15 =	smov.u32 s16;
	v0 =	vor.u32 v2, v3;
	v2 =	vmovc v1;
	v1 =	vld.msk [tilespmem:s18+$0x0 ss:$0x1], $0xffff;
	(pc) =	sbr.rel @p1 .LBB2_3-.Ltmp3, $4  }
0x3f: {  	v3 =	vand.u32 $0x7FF80, v5;
	vm1 =	veq.s32 v2, $0x80000000;
	v2 =	vand.u32 $0x3F, v4  }
0x40: {  	v4 =	vsel vm1, $0xFFFFFFFF, v2;
	v5 =	vsel vm1, $0xFFFFFF80, v3  }
0x41: {  	v2 =	vand.u32 $0x7F, v4;
	v3 =	vand.u32 $0xFFFFFC00, v5;
	v4 =	vand.u32 $0xFFFFFC00, v4  }
0x42: {  	s16 =	sadd.s32 $0x10, s16;
	s18 =	sadd.s32 $0x10, s18;
	v3 =	vadd.s32 v4, v3;
	v4 =	vand.u32 $0x380, v5;
	(ifvalue) =	ssetifvalue $0x7FFFFFFF  }
.Ltmp4:
0x43: {  	_ = 	snop;
	(pc) =	sbr.rel .LBB2_4-.Ltmp4, $1  }
0x44: {  	_ =	sdelay $0x3  }
.LBB2_6:
0x45: {  	_ =	sfence.sel $0x180000  }
0x46: {  	s2 =	simm.s32 $0x2;
	[bflag:$0x0] =	sbarrier.arrive $0xFFFF  }
0x47: {  	s30 =	simm.s32 $0x3;
	[sflag:s2] =	ssyncpa.u1 $0x1  }
0x48: {  	s31 =	simm.s32 $0x1;
	[sflag:s30] =	ssyncpa.u1 $0x1  }
0x49: {  	[sflag:s31] =	ssyncpa.u1 $0x1  }
0x4a: {  	p0 =	sne.s32 s0, $0x0;
	_ =	strace $0x90000047  }
0x4b: {  	s0 =	sadd.s32 @!p0 $0x100000, s1;
	[bflag:$0x2] =	sbarrier.arrive $0xFFFF  }
0x4c: {  	[sflag:s0] =	ssyncadd.tile.s32 @!p0 $0x1;
	_ =	shalt  }
.Lfunc_end2:
_tile_overlayer_lowered:
.L_overlay_start_2:
0x4d: {  	(tag) =	ssettag $0x2  }
0x4e: {  	s0 =	rddreg [dreg:$0x0];
	s2 =	stileid.u32  }
0x4f: {  	s1 =	rddreg [dreg:$0x1];
	p0 =	sne.s32 s2, $0x0  }
0x50: {  	s3 =	rddreg [dreg:$0x2];
	[bflag:$0x3] =	sbarrier.arrive $0xFFFF;
	s2 =	simm.s32 @!p0 $0x1C01  }
0x51: {  	[timem:s3], [sflag:s2] =	dma.local @!p0 [hbm:s0], s1  }
0x52: {  	s0 =	simm.s32 @!p0 $0x1  }
0x53: {  	_ =	swait.ge @!p0 [sflag:s0], s1  }
0x54: {  	s1 =	ssub.s32 @!p0 $0x0, s1;
	[sflag:s0] =	ssyncset.done @!p0 $0x0  }
0x55: {  	[sflag:s0] =	ssyncadd.s32 @!p0 s1  }
0x56: {  	[bflag:$0x3] =	sbarrier.arrive $0xFFFF  }
0x57: {  	_ =	shalt  }

// kernel: kernel.10.cloned.1.call-start
scs
__scs_entry_jumppad:
0x0: {  	(pc) =	sbr.rel $0x88, $3  }
0x1: {  	(tag) =	ssettag $0x0;
	lr =	simm.s32 $0x1  }
0x2: {  	[smem:$0x3F98] =	sst lr;
	_ =	strace $0xD0000000  }
0x3: {  	_ = 	snop  }
0x4: {  	_ = 	snop  }
0x5: {  	_ = 	snop  }
0x6: {  	_ = 	snop  }
0x7: {  	_ = 	snop  }
__scs_overlays_trampoline_lowered:
0x8: {  	[smem:$0x3FA7] =	sst s0  }
0x9: {  	[smem:$0x3FA8] =	sst s1  }
0xa: {  	[smem:$0x3FA9] =	sst s2  }
0xb: {  	[smem:$0x3FAA] =	sst s3  }
0xc: {  	[smem:$0x3FAB] =	sst s4  }
0xd: {  	[smem:$0x3FAC] =	sst s5  }
0xe: {  	[smem:$0x3FAD] =	sst s6  }
0xf: {  	[smem:$0x3FAE] =	sst s7  }
0x10: {  	[smem:$0x3FAF] =	sst s8  }
0x11: {  	[smem:$0x3FB0] =	sst s9;
	s0 =	simm.s32 @!p0 $0x0  }
0x12: {  	s1 =	sld [smem:$0x3F96];
	s0 =	simm.s32 @p0 $0x1  }
0x13: {  	[smem:$0x3FB1] =	sst s0;
	s0 =	simm.s32 @!p1 $0x0  }
0x14: {  	s2 =	sld [smem:$0x3F95];
	s0 =	simm.s32 @p1 $0x1  }
0x15: {  	[smem:$0x3FB2] =	sst s0;
	s0 =	simm.s32 @!p2 $0x0  }
0x16: {  	s3 =	sld [smem:$0x3FDB];
	s0 =	simm.s32 @p2 $0x1  }
0x17: {  	s4 =	simm.s32 $0x1BF5;
	[smem:$0x3FB4] =	sst s0  }
0x18: {  	s0 =	sld [smem:$0x3F97];
	_ =	swait.ge [sflag:s4], $0x0  }
0x19: {  	s7 =	sld [smem:$0x3F98]  }
0x1a: {  	s8 =	sadd.s32 $0xFFFFE003, lr  }
0x1b: {  	s9 =	sadd.s32 $0xFFFFFEF7, lr;
	s5 =	simm.s32 $0xFFFFFFFF;
	p2 =	slt.u32 s8, $0xFFFFF086  }
0x1c: {  	p1 =	slt.u32 s9, $0xF7A;
	s5 =	simm.s32 @!p2 $0x0  }
0x1d: {  	s5 =	simm.s32 @p1 $0x1;
	p0 =	seq.s32 s7, s2  }
0x1e: {  	s7 =	smul.u32 @!p0 $0xF7A, s2;
	p2 =	seq.s32 @!p0 s5, $0x0  }
0x1f: {  	s9 =	smul.u32 $0xF7A, s1;
	s8 =	simm.s32 @!p0 $0x1BF5;
	p2 =	por !p2, p0  }
0x20: {  	[sflag:s8] =	ssyncset.s32 @!p0 $0xFFFFF086;
	s6 =	sadd.s32 @!p0 s3, s7;
	s7 =	simm.s32 @!p0 $0x108  }
0x21: {  	s3 =	sadd.s32 s3, s9;
	s6 =	sadd.s32 @!p0 $0x88, s6;
	s7 =	simm.s32 @p2 $0x1082  }
0x22: {  	[simem:s7], [sflag:s8] =	dma.local @!p0 [hbm:s6], $0xF7A  }
0x23: {  	s9 =	sor.u32 $0xD0000000, s2;
	s6 =	simm.s32 $0x108;
	_ =	swait.ge @!p0 [sflag:s8], $0x0  }
0x24: {  	s3 =	sadd.s32 $0x88, s3;
	s6 =	simm.s32 @!p1 $0x1082;
	[sflag:s4] =	ssyncset.s32 $0xFFFFF086  }
0x25: {  	[simem:s6], [sflag:s4] =	dma.local [hbm:s3], $0xF7A  }
0x26: {  	[smem:$0x3F98] =	sst s1;
	(tag) =	ssettag s2;
	_ =	strace s9  }
0x27: {  	s1 =	sld [smem:$0x3FA8]  }
0x28: {  	s2 =	sld [smem:$0x3FA9]  }
0x29: {  	s4 =	sld [smem:$0x3FAB]  }
0x2a: {  	p0 =	seq.s32 s5, $0x0;
	s5 =	sld [smem:$0x3FAC]  }
0x2b: {  	s6 =	sld [smem:$0x3FAD]  }
0x2c: {  	s7 =	sld [smem:$0x3FAE]  }
0x2d: {  	s3 =	simm.s32 $0x108;
	s8 =	sld [smem:$0x3FAF]  }
0x2e: {  	s3 =	simm.s32 @!p0 $0x1082;
	s9 =	sld [smem:$0x3FB0]  }
0x2f: {  	lr =	sadd.s32 s0, s3;
	s0 =	sld [smem:$0x3FA7]  }
0x30: {  	s3 =	sld [smem:$0x3FAA]  }
0x31: {  	[smem:$0x3FB3] =	sst s10  }
0x32: {  	s10 =	sld [smem:$0x3FB1];
	_ =	sdelay $0x3  }
0x33: {  	p0 =	seq.s32 s10, $0x1;
	s10 =	sld [smem:$0x3FB3];
	_ =	sdelay $0x3  }
0x34: {  	[smem:$0x3FB3] =	sst s10  }
0x35: {  	s10 =	sld [smem:$0x3FB2];
	_ =	sdelay $0x3  }
0x36: {  	p1 =	seq.s32 s10, $0x1;
	s10 =	sld [smem:$0x3FB3];
	_ =	sdelay $0x3  }
0x37: {  	[smem:$0x3FB3] =	sst s10  }
0x38: {  	s10 =	sld [smem:$0x3FB4]  }
0x39: {  	_ = 	snop;
	(pc) =	sbr.ind lr, $3  }
0x3a: {  	_ = 	snop  }
0x3b: {  	_ = 	snop  }
0x3c: {  	p2 =	seq.s32 s10, $0x1;
	s10 =	sld [smem:$0x3FB3]  }
0x3d: {  	_ =	shalt  }
0x3e: {  	_ =	shalt  }
0x3f: {  	_ =	shalt  }
0x40: {  	_ =	shalt  }
0x41: {  	_ =	shalt  }
0x42: {  	_ =	shalt  }
0x43: {  	_ =	shalt  }
0x44: {  	_ =	shalt  }
0x45: {  	_ =	shalt  }
0x46: {  	_ =	shalt  }
0x47: {  	_ =	shalt  }
0x48: {  	_ =	shalt  }
0x49: {  	_ =	shalt  }
0x4a: {  	_ =	shalt  }
0x4b: {  	_ =	shalt  }
0x4c: {  	_ =	shalt  }
0x4d: {  	_ =	shalt  }
0x4e: {  	_ =	shalt  }
0x4f: {  	_ =	shalt  }
0x50: {  	_ =	shalt  }
0x51: {  	_ =	shalt  }
0x52: {  	_ =	shalt  }
0x53: {  	_ =	shalt  }
0x54: {  	_ =	shalt  }
0x55: {  	_ =	shalt  }
0x56: {  	_ =	shalt  }
0x57: {  	_ =	shalt  }
0x58: {  	_ =	shalt  }
0x59: {  	_ =	shalt  }
0x5a: {  	_ =	shalt  }
0x5b: {  	_ =	shalt  }
0x5c: {  	_ =	shalt  }
0x5d: {  	_ =	shalt  }
0x5e: {  	_ =	shalt  }
0x5f: {  	_ =	shalt  }
0x60: {  	_ =	shalt  }
0x61: {  	_ =	shalt  }
0x62: {  	_ =	shalt  }
0x63: {  	_ =	shalt  }
0x64: {  	_ =	shalt  }
0x65: {  	_ =	shalt  }
0x66: {  	_ =	shalt  }
0x67: {  	_ =	shalt  }
0x68: {  	_ =	shalt  }
0x69: {  	_ =	shalt  }
0x6a: {  	_ =	shalt  }
0x6b: {  	_ =	shalt  }
0x6c: {  	_ =	shalt  }
0x6d: {  	_ =	shalt  }
0x6e: {  	_ =	shalt  }
0x6f: {  	_ =	shalt  }
0x70: {  	_ =	shalt  }
0x71: {  	_ =	shalt  }
0x72: {  	_ =	shalt  }
0x73: {  	_ =	shalt  }
0x74: {  	_ =	shalt  }
0x75: {  	_ =	shalt  }
0x76: {  	_ =	shalt  }
0x77: {  	_ =	shalt  }
0x78: {  	_ =	shalt  }
0x79: {  	_ =	shalt  }
0x7a: {  	_ =	shalt  }
0x7b: {  	_ =	shalt  }
0x7c: {  	_ =	shalt  }
0x7d: {  	_ =	shalt  }
0x7e: {  	_ =	shalt  }
0x7f: {  	_ =	shalt  }
0x80: {  	_ =	shalt  }
0x81: {  	_ =	shalt  }
0x82: {  	_ =	shalt  }
0x83: {  	_ =	shalt  }
0x84: {  	_ =	shalt  }
0x85: {  	_ =	shalt  }
0x86: {  	_ =	shalt  }
0x87: {  	_ =	shalt  }
.Lfunc_end0:
.L_simem_size_0:
called_computation.2_lowered:
.L_overlay_start_0:
0x88: {  	s2 =	sld [smem:$0x3FD9]  }
0x89: {  	s3 =	sld [smem:$0x3FFE];
	_ =	sdelay $0x1  }
0x8a: {  	s1 =	srdreg.scid  }
0x8b: {  	s0 =	sand.u32 $0x1, s1  }
0x8c: {  	s16 =	sshll.u32 s0, $0xA;
	s2 =	sadd.s32 s3, s2  }
0x8d: {  	s2 =	sadd.s32 s2, s16  }
0x8e: {  	[smem:$0x3FBF] =	sst s2  }
0x8f: {  	_ = 	snop  }
0x90: {  	(tm) =	ssettm $0x1  }
0x91: {  	s17 =	sld [smem:$0x3FFB];
	_ =	sdelay $0x3  }
0x92: {  	_ =	strace s17  }
0x93: {  	s2 =	sld [smem:$0x3FFC];
	_ =	sdelay $0x3  }
0x94: {  	_ =	strace s2  }
0x95: {  	s2 =	sld [smem:$0x3FFD];
	_ =	sdelay $0x3  }
0x96: {  	_ =	strace s2  }
0x97: {  	_ =	strace $0x8FFFFFFF  }
0x98: {  	s18 =	sld [smem:$0x3FDB];
	_ =	sdelay $0x1  }
0x99: {  	s19 =	simm.s32 $_scs_section_size  }
0x9a: {  	s4 =	simm.s32 $_size__tile_overlayer_lowered;
	s5 =	simm.s32 $_tile_overlayer_lowered  }
0x9b: {  	s22 =	simm.s32 $0x1BFF;
	s21 =	sshll.u32 s5, $0x1;
	s2 =	sadd.s32 s19, s18  }
0x9c: {  	s6 =	simm.s32 $0x0;
	s20 =	sshll.u32 s4, $0x1;
	s4 =	sadd.s32 s21, s2  }
0x9d: {  	[timem:s6], [sflag:s22] =	dma.local [hbm:s4], s20  }
0x9e: {  	_ =	swait.ge [sflag:s22], s20  }
0x9f: {  	s3 =	ssub.s32 $0x0, s20;
	[sflag:s22] =	ssyncset.done $0x0  }
0xa0: {  	[sflag:s22] =	ssyncadd.s32 s3;
	_ =	sdelay $0x1  }
0xa1: {  	s23 =	simm.s32 $0x1B8B  }
0xa2: {  	_ =	swait.ge [sflag:s23], $0x1  }
0xa3: {  	[sflag:s23] =	ssyncset.done $0x0  }
0xa4: {  	s25 =	simm.s32 $0x1B8E;
	s24 =	sld [smem:$0x3FFE];
	[sflag:s23] =	ssyncadd.s32 $0xFFFFFFFF  }
0xa5: {  	s26 =	simm.s32 $execute0_lowered;
	[smem:$0x3FD2] =	sst s25  }
0xa6: {  	s4 =	sshll.u32 s26, $0x1;
	_ =	strace $0x8000004C;
	[dreg:$0x1] =	wrdreg $0xFFFFFFFF  }
0xa7: {  	s28 =	simm.s32 $_size_execute0_lowered;
	s2 =	sadd.s32 s2, s4;
	[dreg:$0x0] =	wrdreg $0x0  }
0xa8: {  	s4 =	sshll.u32 s28, $0x1;
	[dreg:$0x2] =	wrdreg s2  }
0xa9: {  	[dreg:$0x3] =	wrdreg s4  }
0xaa: {  	[dreg:$0x4] =	wrdreg $0xC0  }
0xab: {  	_ =	task [dreg:s6], $0x5FFFF  }
0xac: {  	[dreg:$0x1] =	wrdreg $0xFFFFFFFF  }
0xad: {  	[dreg:$0x0] =	wrdreg $0x60  }
0xae: {  	[dreg:$0x2] =	wrdreg s24  }
0xaf: {  	[dreg:$0x3] =	wrdreg $0x9  }
0xb0: {  	_ =	task.clear_ibuf [dreg:s6], $0x4FFFF;
	_ =	strace $0x9000004C  }
0xb1: {  	s29 =	simm.s32 $0x9;
	_ =	strace $0x8000004E  }
0xb2: {  	_ =	swait.ge [sflag:s29], $0x1  }
0xb3: {  	[sflag:s29] =	ssyncadd.s32 $0xFFFFFFFF  }
0xb4: {  	_ =	strace $0x9000004E  }
0xb5: {  	_ =	sfence  }
0xb6: {  	s30 =	sld [smem:$0x0];
	_ =	sdelay $0x2  }
0xb7: {  	s31 =	sshll.u32 s1, $0xD;
	s1 =	sshrl.u32 s1, $0x2  }
0xb8: {  	s3 =	sand.u32 $0x4000, s31;
	s1 =	sadd.s32 s1, s30  }
0xb9: {  	s0 =	sor.u32 s3, s0;
	s1 =	sshll.u32 s1, $0x11  }
0xba: {  	s0 =	sor.u32 s1, s0  }
0xbb: {  	s0 =	sadd.s32 $0x8F2B, s0  }
0xbc: {  	[sflag:s0] =	ssyncadd.remote.s32 $0x1  }
0xbd: {  	_ =	sfence.sel $0xFFFF  }
0xbe: {  	[dreg:$0x0] =	wrdreg $0xFFFFFFFF;
	(pc) =	sbr.abs _section_cstart, $3  }
0xbf: {  	[dreg:$0x1] =	wrdreg $0xFFFFFFFF  }
0xc0: {  	_ =	task.clear_ibuf [dreg:s6], $0x2FFFF;
	_ =	strace $0x9FFFFFFF  }
0xc1: {  	(tm) =	ssettm $0x7FFFFFFF  }
tec
execute0_lowered:
.L_overlay_start_1:
0x0: {  	(tag) =	ssettag $0x1  }
0x1: {  	s0 =	srdreg.scid  }
0x2: {  	s2 =	stileid.u32;
	s1 =	rddreg [dreg:$0x0]  }
0x3: {  	s8 =	simm.s32 $0x3;
	s9 =	simm.s32 $0x1;
	s19 =	simm.s32 $0x2  }
0x4: {  	s21 =	simm.s32 $0xA00;
	s22 =	simm.s32 $0x1200;
	s23 =	simm.s32 $0x1A00  }
0x5: {  	s28 =	simm.s32 $0x3200;
	s29 =	simm.s32 $0x3A00;
	s30 =	simm.s32 $0x4200  }
0x6: {  	s31 =	simm.s32 $0x4A00;
	s10 =	simm.s32 $0x6200;
	s11 =	simm.s32 $0x6A00  }
0x7: {  	s12 =	simm.s32 $0x7200;
	s13 =	simm.s32 $0x7A00;
	s18 =	simm.s32 $0x8200  }
0x8: {  	s14 =	simm.s32 $0x8A00;
	s15 =	simm.s32 $0x9200;
	s16 =	simm.s32 $0x9A00  }
0x9: {  	s0 =	sand.u32 $0x1, s0;
	s3 =	sshll.u32 s2, $0x1;
	s2 =	simm.s32 $0x0  }
0xa: {  	s17 =	simm.s32 $0xA200;
	s3 =	sor.u32 s0, s3;
	[smem:$0x7FF] =	sst s2  }
0xb: {  	s0 =	ssub.s32 $0x2, s0;
	s4 =	sshll.u32 s3, $0x6;
	_ =	strace $0x8000004D  }
0xc: {  	s5 =	sshll.u32 s3, $0xE;
	s3 =	sadd.s32 $0x112800, s1;
	s4 =	sadd.s32 s4, s1  }
0xd: {  	s6 =	sshrl.u32 s0, $0x1;
	s5 =	sadd.s32 s5, s1;
	s4 =	sadd.s32 $0x1000, s4  }
0xe: {  	s0 =	ssub.s32 s0, s6;
	s24 =	sadd.s32 $0x1800, s5;
	[dreg:$0x2] =	wrdreg s4  }
0xf: {  	s6 =	sadd.s32 $0x112B00, s1;
	s25 =	sadd.s32 $0x2800, s5;
	[dreg:$0x3] =	wrdreg s24  }
0x10: {  	s26 =	sadd.s32 $0x3800, s5;
	s7 =	sadd.s32 $0x4800, s5;
	[dreg:$0x4] =	wrdreg s25  }
0x11: {  	v2 =	vlaneseq.u32;
	s5 =	sadd.s32 $0x112A00, s1;
	s4 =	sadd.s32 $0x112900, s1;
	[dreg:$0x5] =	wrdreg s26  }
0x12: {  	vm0 =	vmmov $0xffff;
	v1 =	vshrl.u32 v2, $0x3;
	[dreg:$0x6] =	wrdreg s7;
	s7 =	smax.u32 s0, $0x1;
	s25 =	simm.s32 $0x200  }
0x13: {  	v0 =	vand.u32 $0x7, v2;
	v2 =	vor.u32 $0x8, v2;
	v1 =	vmul.u32 $0x8, v1;
	s24 =	simm.s32 $0x2200;
	s26 =	simm.s32 $0x2A00;
	s1 =	simm.s32 $0x5200  }
.LBB2_1:
0x14: {  	s20 =	rddreg [dreg:$0x2]  }
0x15: {  	[tilespmem:s2], [sflag:$0x3] =	stream.linear.gather [hbm4b:s20+s2], $0x200, $0x38;
	[tilespmem:$0x10200] =	vst v63  }
0x16: {  	_ =	swait.ge [sflag:s8], $0x200  }
0x17: {  	[sflag:s8] =	ssyncset.done $0x0  }
0x18: {  	[sflag:s8] =	ssyncadd.s32 $0xFFFFFE00  }
0x19: {  	v3 =	vld [tilespmem:$0x0];
	_ =	sdelay $0x4  }
0x1a: {  	v4 =	vshll.u32 v3, $0x3  }
0x1b: {  	v3 =	vand.u32 $0x7, v3;
	v4 =	vand.u32 $0xFFFFFFC0, v4  }
0x1c: {  	v3 =	vor.u32 v3, v4  }
0x1d: {  	v4 =	vperm.xlane v3, v0;
	_ =	sdelay $0x1  }
0x1e: {  	v4 =	vadd.s32 v1, v4;
	_ =	sdelay $0x4  }
0x1f: {  	[tilespmem:s25], [sflag:$0x1] =	stream.indirect_vreg.gather [hbm4b:s3+s2], $0x80, v4, vm0, $0xb8;
	[tilespmem:$0x10200] =	vst v63  }
0x20: {  	v3 =	vperm.xlane v3, v2  }
0x21: {  	[tilespmem:s21], [sflag:$0x1] =	stream.indirect_vreg.gather [hbm4b:s4+s2], $0x80, v4, vm0, $0xb8;
	[tilespmem:$0x10200] =	vst v63  }
0x22: {  	v3 =	vadd.s32 v1, v3  }
0x23: {  	[tilespmem:s22], [sflag:$0x1] =	stream.indirect_vreg.gather [hbm4b:s5+s2], $0x80, v4, vm0, $0xb8;
	[tilespmem:$0x10200] =	vst v63  }
0x24: {  	_ = 	snop  }
0x25: {  	[tilespmem:s23], [sflag:$0x1] =	stream.indirect_vreg.gather [hbm4b:s6+s2], $0x80, v4, vm0, $0xb8;
	[tilespmem:$0x10200] =	vst v63  }
0x26: {  	_ = 	snop  }
0x27: {  	[tilespmem:s24], [sflag:$0x1] =	stream.indirect_vreg.gather [hbm4b:s3+s2], $0x80, v3, vm0, $0xb8;
	[tilespmem:$0x10200] =	vst v63  }
0x28: {  	_ = 	snop  }
0x29: {  	[tilespmem:s26], [sflag:$0x1] =	stream.indirect_vreg.gather [hbm4b:s4+s2], $0x80, v3, vm0, $0xb8;
	[tilespmem:$0x10200] =	vst v63  }
0x2a: {  	_ = 	snop  }
0x2b: {  	[tilespmem:s28], [sflag:$0x1] =	stream.indirect_vreg.gather [hbm4b:s5+s2], $0x80, v3, vm0, $0xb8;
	[tilespmem:$0x10200] =	vst v63  }
0x2c: {  	_ = 	snop  }
0x2d: {  	[tilespmem:s29], [sflag:$0x1] =	stream.indirect_vreg.gather [hbm4b:s6+s2], $0x80, v3, vm0, $0xb8;
	[tilespmem:$0x10200] =	vst v63  }
0x2e: {  	v3 =	vld [tilespmem:$0x10];
	_ =	sdelay $0x4  }
0x2f: {  	v57 =	vshll.u32 v3, $0x3  }
0x30: {  	v3 =	vand.u32 $0x7, v3;
	v4 =	vand.u32 $0xFFFFFFC0, v57  }
0x31: {  	v3 =	vor.u32 v3, v4  }
0x32: {  	v4 =	vperm.xlane v3, v0;
	_ =	sdelay $0x1  }
0x33: {  	v4 =	vadd.s32 v1, v4;
	_ =	sdelay $0x4  }
0x34: {  	[tilespmem:s30], [sflag:$0x1] =	stream.indirect_vreg.gather [hbm4b:s3+s2], $0x80, v4, vm0, $0xb8;
	[tilespmem:$0x10200] =	vst v63  }
0x35: {  	v3 =	vperm.xlane v3, v2  }
0x36: {  	[tilespmem:s31], [sflag:$0x1] =	stream.indirect_vreg.gather [hbm4b:s4+s2], $0x80, v4, vm0, $0xb8;
	[tilespmem:$0x10200] =	vst v63  }
0x37: {  	v3 =	vadd.s32 v1, v3  }
0x38: {  	[tilespmem:s1], [sflag:$0x1] =	stream.indirect_vreg.gather [hbm4b:s5+s2], $0x80, v4, vm0, $0xb8;
	[tilespmem:$0x10200] =	vst v63  }
0x39: {  	s0 =	simm.s32 $0x5A00  }
0x3a: {  	[tilespmem:s0], [sflag:$0x1] =	stream.indirect_vreg.gather [hbm4b:s6+s2], $0x80, v4, vm0, $0xb8;
	[tilespmem:$0x10200] =	vst v63  }
0x3b: {  	_ = 	snop  }
0x3c: {  	[tilespmem:s10], [sflag:$0x1] =	stream.indirect_vreg.gather [hbm4b:s3+s2], $0x80, v3, vm0, $0xb8;
	[tilespmem:$0x10200] =	vst v63  }
0x3d: {  	_ = 	snop  }
0x3e: {  	[tilespmem:s11], [sflag:$0x1] =	stream.indirect_vreg.gather [hbm4b:s4+s2], $0x80, v3, vm0, $0xb8;
	[tilespmem:$0x10200] =	vst v63  }
0x3f: {  	_ = 	snop  }
0x40: {  	[tilespmem:s12], [sflag:$0x1] =	stream.indirect_vreg.gather [hbm4b:s5+s2], $0x80, v3, vm0, $0xb8;
	[tilespmem:$0x10200] =	vst v63  }
0x41: {  	_ = 	snop  }
0x42: {  	[tilespmem:s13], [sflag:$0x1] =	stream.indirect_vreg.gather [hbm4b:s6+s2], $0x80, v3, vm0, $0xb8;
	[tilespmem:$0x10200] =	vst v63  }
0x43: {  	v3 =	vld [tilespmem:$0x80];
	_ =	sdelay $0x4  }
0x44: {  	v58 =	vshll.u32 v3, $0x3  }
0x45: {  	v3 =	vand.u32 $0x7, v3;
	v4 =	vand.u32 $0xFFFFFFC0, v58  }
0x46: {  	v3 =	vor.u32 v3, v4  }
0x47: {  	v4 =	vperm.xlane v3, v0;
	_ =	sdelay $0x1  }
0x48: {  	v4 =	vadd.s32 v1, v4;
	_ =	sdelay $0x4  }
0x49: {  	[tilespmem:s18], [sflag:$0x2] =	stream.indirect_vreg.gather [hbm4b:s3+s2], $0x80, v4, vm0, $0xb8;
	[tilespmem:$0x10200] =	vst v63  }
0x4a: {  	v3 =	vperm.xlane v3, v2  }
0x4b: {  	[tilespmem:s14], [sflag:$0x2] =	stream.indirect_vreg.gather [hbm4b:s4+s2], $0x80, v4, vm0, $0xb8;
	[tilespmem:$0x10200] =	vst v63  }
0x4c: {  	v3 =	vadd.s32 v1, v3  }
0x4d: {  	[tilespmem:s15], [sflag:$0x2] =	stream.indirect_vreg.gather [hbm4b:s5+s2], $0x80, v4, vm0, $0xb8;
	[tilespmem:$0x10200] =	vst v63  }
0x4e: {  	_ = 	snop  }
0x4f: {  	[tilespmem:s16], [sflag:$0x2] =	stream.indirect_vreg.gather [hbm4b:s6+s2], $0x80, v4, vm0, $0xb8;
	[tilespmem:$0x10200] =	vst v63  }
0x50: {  	_ = 	snop  }
0x51: {  	[tilespmem:s17], [sflag:$0x2] =	stream.indirect_vreg.gather [hbm4b:s3+s2], $0x80, v3, vm0, $0xb8;
	[tilespmem:$0x10200] =	vst v63  }
0x52: {  	s20 =	simm.s32 $0xAA00  }
0x53: {  	[tilespmem:s20], [sflag:$0x2] =	stream.indirect_vreg.gather [hbm4b:s4+s2], $0x80, v3, vm0, $0xb8;
	[tilespmem:$0x10200] =	vst v63  }
0x54: {  	s20 =	simm.s32 $0xB200  }
0x55: {  	[tilespmem:s20], [sflag:$0x2] =	stream.indirect_vreg.gather [hbm4b:s5+s2], $0x80, v3, vm0, $0xb8;
	[tilespmem:$0x10200] =	vst v63  }
0x56: {  	s20 =	simm.s32 $0xBA00  }
0x57: {  	[tilespmem:s20], [sflag:$0x2] =	stream.indirect_vreg.gather [hbm4b:s6+s2], $0x80, v3, vm0, $0xb8;
	[tilespmem:$0x10200] =	vst v63  }
0x58: {  	v3 =	vld [tilespmem:$0x90];
	_ =	sdelay $0x4  }
0x59: {  	v59 =	vshll.u32 v3, $0x3  }
0x5a: {  	v3 =	vand.u32 $0x7, v3;
	v4 =	vand.u32 $0xFFFFFFC0, v59  }
0x5b: {  	v3 =	vor.u32 v3, v4  }
0x5c: {  	v4 =	vperm.xlane v3, v0;
	_ =	sdelay $0x1  }
0x5d: {  	v4 =	vadd.s32 v1, v4;
	_ =	sdelay $0x3  }
0x5e: {  	s20 =	simm.s32 $0xC200  }
0x5f: {  	[tilespmem:s20], [sflag:$0x2] =	stream.indirect_vreg.gather [hbm4b:s3+s2], $0x80, v4, vm0, $0xb8;
	[tilespmem:$0x10200] =	vst v63  }
0x60: {  	v3 =	vperm.xlane v3, v2;
	s20 =	simm.s32 $0xCA00  }
0x61: {  	[tilespmem:s20], [sflag:$0x2] =	stream.indirect_vreg.gather [hbm4b:s4+s2], $0x80, v4, vm0, $0xb8;
	[tilespmem:$0x10200] =	vst v63  }
0x62: {  	v3 =	vadd.s32 v1, v3;
	s20 =	simm.s32 $0xD200  }
0x63: {  	[tilespmem:s20], [sflag:$0x2] =	stream.indirect_vreg.gather [hbm4b:s5+s2], $0x80, v4, vm0, $0xb8;
	[tilespmem:$0x10200] =	vst v63  }
0x64: {  	s20 =	simm.s32 $0xDA00  }
0x65: {  	[tilespmem:s20], [sflag:$0x2] =	stream.indirect_vreg.gather [hbm4b:s6+s2], $0x80, v4, vm0, $0xb8;
	[tilespmem:$0x10200] =	vst v63  }
0x66: {  	s20 =	simm.s32 $0xE200  }
0x67: {  	[tilespmem:s20], [sflag:$0x2] =	stream.indirect_vreg.gather [hbm4b:s3+s2], $0x80, v3, vm0, $0xb8;
	[tilespmem:$0x10200] =	vst v63  }
0x68: {  	s20 =	simm.s32 $0xEA00  }
0x69: {  	[tilespmem:s20], [sflag:$0x2] =	stream.indirect_vreg.gather [hbm4b:s4+s2], $0x80, v3, vm0, $0xb8;
	[tilespmem:$0x10200] =	vst v63  }
0x6a: {  	s20 =	simm.s32 $0xF200  }
0x6b: {  	[tilespmem:s20], [sflag:$0x2] =	stream.indirect_vreg.gather [hbm4b:s5+s2], $0x80, v3, vm0, $0xb8;
	[tilespmem:$0x10200] =	vst v63  }
0x6c: {  	s20 =	simm.s32 $0xFA00  }
0x6d: {  	[tilespmem:s20], [sflag:$0x2] =	stream.indirect_vreg.gather [hbm4b:s6+s2], $0x80, v3, vm0, $0xb8;
	[tilespmem:$0x10200] =	vst v63  }
0x6e: {  	_ =	swait.ge [sflag:s9], $0x8000  }
0x6f: {  	[sflag:s9] =	ssyncset.done $0x0  }
0x70: {  	s20 =	rddreg [dreg:$0x3];
	[sflag:s9] =	ssyncadd.s32 $0xFFFF8000  }
0x71: {  	[hbm4b:s20+s2] =	stream.linear.scatter [tilespmem:s25], [sflag:$0x3], $0x8000, $0x38;
	[tilespmem:$0x10200] =	vst v63  }
0x72: {  	_ =	swait.ge [sflag:s8], $0x8000  }
0x73: {  	[sflag:s8] =	ssyncset.done $0x0  }
0x74: {  	[sflag:s8] =	ssyncadd.s32 $0xFFFF8000  }
0x75: {  	v3 =	vld [tilespmem:$0x100];
	_ =	sdelay $0x4  }
0x76: {  	v60 =	vshll.u32 v3, $0x3  }
0x77: {  	v3 =	vand.u32 $0x7, v3;
	v4 =	vand.u32 $0xFFFFFFC0, v60  }
0x78: {  	v3 =	vor.u32 v3, v4  }
0x79: {  	v4 =	vperm.xlane v3, v0;
	_ =	sdelay $0x1  }
0x7a: {  	v4 =	vadd.s32 v1, v4;
	_ =	sdelay $0x4  }
0x7b: {  	[tilespmem:s25], [sflag:$0x1] =	stream.indirect_vreg.gather [hbm4b:s3+s2], $0x80, v4, vm0, $0xb8;
	[tilespmem:$0x10200] =	vst v63  }
0x7c: {  	v3 =	vperm.xlane v3, v2  }
0x7d: {  	[tilespmem:s21], [sflag:$0x1] =	stream.indirect_vreg.gather [hbm4b:s4+s2], $0x80, v4, vm0, $0xb8;
	[tilespmem:$0x10200] =	vst v63  }
0x7e: {  	v3 =	vadd.s32 v1, v3  }
0x7f: {  	[tilespmem:s22], [sflag:$0x1] =	stream.indirect_vreg.gather [hbm4b:s5+s2], $0x80, v4, vm0, $0xb8;
	[tilespmem:$0x10200] =	vst v63  }
0x80: {  	_ = 	snop  }
0x81: {  	[tilespmem:s23], [sflag:$0x1] =	stream.indirect_vreg.gather [hbm4b:s6+s2], $0x80, v4, vm0, $0xb8;
	[tilespmem:$0x10200] =	vst v63  }
0x82: {  	_ = 	snop  }
0x83: {  	[tilespmem:s24], [sflag:$0x1] =	stream.indirect_vreg.gather [hbm4b:s3+s2], $0x80, v3, vm0, $0xb8;
	[tilespmem:$0x10200] =	vst v63  }
0x84: {  	_ = 	snop  }
0x85: {  	[tilespmem:s26], [sflag:$0x1] =	stream.indirect_vreg.gather [hbm4b:s4+s2], $0x80, v3, vm0, $0xb8;
	[tilespmem:$0x10200] =	vst v63  }
0x86: {  	_ = 	snop  }
0x87: {  	[tilespmem:s28], [sflag:$0x1] =	stream.indirect_vreg.gather [hbm4b:s5+s2], $0x80, v3, vm0, $0xb8;
	[tilespmem:$0x10200] =	vst v63  }
0x88: {  	_ = 	snop  }
0x89: {  	[tilespmem:s29], [sflag:$0x1] =	stream.indirect_vreg.gather [hbm4b:s6+s2], $0x80, v3, vm0, $0xb8;
	[tilespmem:$0x10200] =	vst v63  }
0x8a: {  	v3 =	vld [tilespmem:$0x110];
	_ =	sdelay $0x4  }
0x8b: {  	v61 =	vshll.u32 v3, $0x3  }
0x8c: {  	v3 =	vand.u32 $0x7, v3;
	v4 =	vand.u32 $0xFFFFFFC0, v61  }
0x8d: {  	v3 =	vor.u32 v3, v4  }
0x8e: {  	v4 =	vperm.xlane v3, v0;
	_ =	sdelay $0x1  }
0x8f: {  	v4 =	vadd.s32 v1, v4;
	_ =	sdelay $0x4  }
0x90: {  	[tilespmem:s30], [sflag:$0x1] =	stream.indirect_vreg.gather [hbm4b:s3+s2], $0x80, v4, vm0, $0xb8;
	[tilespmem:$0x10200] =	vst v63  }
0x91: {  	v3 =	vperm.xlane v3, v2  }
0x92: {  	[tilespmem:s31], [sflag:$0x1] =	stream.indirect_vreg.gather [hbm4b:s4+s2], $0x80, v4, vm0, $0xb8;
	[tilespmem:$0x10200] =	vst v63  }
0x93: {  	v3 =	vadd.s32 v1, v3  }
0x94: {  	[tilespmem:s1], [sflag:$0x1] =	stream.indirect_vreg.gather [hbm4b:s5+s2], $0x80, v4, vm0, $0xb8;
	[tilespmem:$0x10200] =	vst v63  }
0x95: {  	_ = 	snop  }
0x96: {  	[tilespmem:s0], [sflag:$0x1] =	stream.indirect_vreg.gather [hbm4b:s6+s2], $0x80, v4, vm0, $0xb8;
	[tilespmem:$0x10200] =	vst v63  }
0x97: {  	_ = 	snop  }
0x98: {  	[tilespmem:s10], [sflag:$0x1] =	stream.indirect_vreg.gather [hbm4b:s3+s2], $0x80, v3, vm0, $0xb8;
	[tilespmem:$0x10200] =	vst v63  }
0x99: {  	_ = 	snop  }
0x9a: {  	[tilespmem:s11], [sflag:$0x1] =	stream.indirect_vreg.gather [hbm4b:s4+s2], $0x80, v3, vm0, $0xb8;
	[tilespmem:$0x10200] =	vst v63  }
0x9b: {  	_ = 	snop  }
0x9c: {  	[tilespmem:s12], [sflag:$0x1] =	stream.indirect_vreg.gather [hbm4b:s5+s2], $0x80, v3, vm0, $0xb8;
	[tilespmem:$0x10200] =	vst v63  }
0x9d: {  	_ = 	snop  }
0x9e: {  	[tilespmem:s13], [sflag:$0x1] =	stream.indirect_vreg.gather [hbm4b:s6+s2], $0x80, v3, vm0, $0xb8;
	[tilespmem:$0x10200] =	vst v63  }
0x9f: {  	_ =	swait.ge [sflag:s19], $0x8000  }
0xa0: {  	[sflag:s19] =	ssyncset.done $0x0  }
0xa1: {  	s0 =	rddreg [dreg:$0x4];
	[sflag:s19] =	ssyncadd.s32 $0xFFFF8000  }
0xa2: {  	[hbm4b:s0+s2] =	stream.linear.scatter [tilespmem:s18], [sflag:$0x3], $0x8000, $0x38;
	[tilespmem:$0x10200] =	vst v63  }
0xa3: {  	_ =	swait.ge [sflag:s8], $0x8000  }
0xa4: {  	[sflag:s8] =	ssyncset.done $0x0  }
0xa5: {  	[sflag:s8] =	ssyncadd.s32 $0xFFFF8000  }
0xa6: {  	v3 =	vld [tilespmem:$0x180];
	_ =	sdelay $0x4  }
0xa7: {  	v62 =	vshll.u32 v3, $0x3  }
0xa8: {  	v3 =	vand.u32 $0x7, v3;
	v4 =	vand.u32 $0xFFFFFFC0, v62  }
0xa9: {  	v3 =	vor.u32 v3, v4  }
0xaa: {  	v4 =	vperm.xlane v3, v0;
	_ =	sdelay $0x1  }
0xab: {  	v4 =	vadd.s32 v1, v4;
	_ =	sdelay $0x4  }
0xac: {  	[tilespmem:s18], [sflag:$0x2] =	stream.indirect_vreg.gather [hbm4b:s3+s2], $0x80, v4, vm0, $0xb8;
	[tilespmem:$0x10200] =	vst v63  }
0xad: {  	v3 =	vperm.xlane v3, v2  }
0xae: {  	[tilespmem:s14], [sflag:$0x2] =	stream.indirect_vreg.gather [hbm4b:s4+s2], $0x80, v4, vm0, $0xb8;
	[tilespmem:$0x10200] =	vst v63  }
0xaf: {  	v3 =	vadd.s32 v1, v3  }
0xb0: {  	[tilespmem:s15], [sflag:$0x2] =	stream.indirect_vreg.gather [hbm4b:s5+s2], $0x80, v4, vm0, $0xb8;
	[tilespmem:$0x10200] =	vst v63  }
0xb1: {  	_ = 	snop  }
0xb2: {  	[tilespmem:s16], [sflag:$0x2] =	stream.indirect_vreg.gather [hbm4b:s6+s2], $0x80, v4, vm0, $0xb8;
	[tilespmem:$0x10200] =	vst v63  }
0xb3: {  	_ = 	snop  }
0xb4: {  	[tilespmem:s17], [sflag:$0x2] =	stream.indirect_vreg.gather [hbm4b:s3+s2], $0x80, v3, vm0, $0xb8;
	[tilespmem:$0x10200] =	vst v63  }
0xb5: {  	s20 =	simm.s32 $0xAA00  }
0xb6: {  	[tilespmem:s20], [sflag:$0x2] =	stream.indirect_vreg.gather [hbm4b:s4+s2], $0x80, v3, vm0, $0xb8;
	[tilespmem:$0x10200] =	vst v63  }
0xb7: {  	s20 =	simm.s32 $0xB200  }
0xb8: {  	[tilespmem:s20], [sflag:$0x2] =	stream.indirect_vreg.gather [hbm4b:s5+s2], $0x80, v3, vm0, $0xb8;
	[tilespmem:$0x10200] =	vst v63  }
0xb9: {  	s20 =	simm.s32 $0xBA00  }
0xba: {  	[tilespmem:s20], [sflag:$0x2] =	stream.indirect_vreg.gather [hbm4b:s6+s2], $0x80, v3, vm0, $0xb8;
	[tilespmem:$0x10200] =	vst v63  }
0xbb: {  	v3 =	vld [tilespmem:$0x190];
	_ =	sdelay $0x4  }
0xbc: {  	v63 =	vshll.u32 v3, $0x3  }
0xbd: {  	v3 =	vand.u32 $0x7, v3;
	v4 =	vand.u32 $0xFFFFFFC0, v63  }
0xbe: {  	v3 =	vor.u32 v3, v4  }
0xbf: {  	v4 =	vperm.xlane v3, v0;
	_ =	sdelay $0x1  }
0xc0: {  	v4 =	vadd.s32 v1, v4;
	_ =	sdelay $0x3  }
0xc1: {  	s20 =	simm.s32 $0xC200  }
0xc2: {  	[tilespmem:s20], [sflag:$0x2] =	stream.indirect_vreg.gather [hbm4b:s3+s2], $0x80, v4, vm0, $0xb8;
	[tilespmem:$0x10200] =	vst v63  }
0xc3: {  	v3 =	vperm.xlane v3, v2;
	s20 =	simm.s32 $0xCA00  }
0xc4: {  	[tilespmem:s20], [sflag:$0x2] =	stream.indirect_vreg.gather [hbm4b:s4+s2], $0x80, v4, vm0, $0xb8;
	[tilespmem:$0x10200] =	vst v63  }
0xc5: {  	v3 =	vadd.s32 v1, v3;
	s20 =	simm.s32 $0xD200  }
0xc6: {  	[tilespmem:s20], [sflag:$0x2] =	stream.indirect_vreg.gather [hbm4b:s5+s2], $0x80, v4, vm0, $0xb8;
	[tilespmem:$0x10200] =	vst v63  }
0xc7: {  	s20 =	simm.s32 $0xDA00  }
0xc8: {  	[tilespmem:s20], [sflag:$0x2] =	stream.indirect_vreg.gather [hbm4b:s6+s2], $0x80, v4, vm0, $0xb8;
	[tilespmem:$0x10200] =	vst v63  }
0xc9: {  	s20 =	simm.s32 $0xE200  }
0xca: {  	[tilespmem:s20], [sflag:$0x2] =	stream.indirect_vreg.gather [hbm4b:s3+s2], $0x80, v3, vm0, $0xb8;
	[tilespmem:$0x10200] =	vst v63  }
0xcb: {  	s20 =	simm.s32 $0xEA00  }
0xcc: {  	[tilespmem:s20], [sflag:$0x2] =	stream.indirect_vreg.gather [hbm4b:s4+s2], $0x80, v3, vm0, $0xb8;
	[tilespmem:$0x10200] =	vst v63  }
0xcd: {  	s20 =	simm.s32 $0xF200  }
0xce: {  	[tilespmem:s20], [sflag:$0x2] =	stream.indirect_vreg.gather [hbm4b:s5+s2], $0x80, v3, vm0, $0xb8;
	[tilespmem:$0x10200] =	vst v63  }
0xcf: {  	s20 =	simm.s32 $0xFA00  }
0xd0: {  	[tilespmem:s20], [sflag:$0x2] =	stream.indirect_vreg.gather [hbm4b:s6+s2], $0x80, v3, vm0, $0xb8;
	[tilespmem:$0x10200] =	vst v63  }
0xd1: {  	_ =	swait.ge [sflag:s9], $0x8000  }
0xd2: {  	[sflag:s9] =	ssyncset.done $0x0  }
0xd3: {  	s0 =	rddreg [dreg:$0x5];
	[sflag:s9] =	ssyncadd.s32 $0xFFFF8000  }
0xd4: {  	[hbm4b:s0+s2] =	stream.linear.scatter [tilespmem:s25], [sflag:$0x3], $0x8000, $0x38;
	[tilespmem:$0x10200] =	vst v63  }
0xd5: {  	_ =	swait.ge [sflag:s8], $0x8000  }
0xd6: {  	[sflag:s8] =	ssyncset.done $0x0  }
0xd7: {  	[sflag:s8] =	ssyncadd.s32 $0xFFFF8000  }
0xd8: {  	_ =	swait.ge [sflag:s19], $0x8000  }
0xd9: {  	p0 =	sne.s32 s7, $0x1;
	[sflag:s19] =	ssyncset.done $0x0  }
.Ltmp0:
0xda: {  	s0 =	rddreg [dreg:$0x6];
	[sflag:s19] =	ssyncadd.s32 $0xFFFF8000;
	(pc) =	sbr.rel @p0 .LBB2_1-.Ltmp0, $4  }
0xdb: {  	[hbm4b:s0+s2] =	stream.linear.scatter [tilespmem:s18], [sflag:$0x3], $0x8000, $0x38;
	[tilespmem:$0x10200] =	vst v63  }
0xdc: {  	_ =	swait.ge [sflag:s8], $0x8000  }
0xdd: {  	[sflag:s8] =	ssyncset.done $0x0  }
0xde: {  	s7 =	sadd.s32 $0xFFFFFFFF, s7;
	[sflag:s8] =	ssyncadd.s32 $0xFFFF8000  }
0xdf: {  	_ =	sfence.sel $0x180000  }
0xe0: {  	[bflag:$0x0] =	sbarrier.arrive $0xFFFF  }
0xe1: {  	_ =	strace $0x9000004D  }
0xe2: {  	s0 =	stileid.u32;
	[bflag:$0x2] =	sbarrier.arrive $0xFFFF  }
0xe3: {  	p0 =	sne.s32 s0, $0x0;
	s0 =	rddreg [dreg:$0x1]  }
0xe4: {  	s0 =	sadd.s32 @!p0 $0x100000, s0  }
0xe5: {  	[sflag:s0] =	ssyncadd.tile.s32 @!p0 $0x1;
	_ =	shalt  }
.Lfunc_end2:
_tile_overlayer_lowered:
.L_overlay_start_2:
0xe6: {  	(tag) =	ssettag $0x2  }
0xe7: {  	s0 =	rddreg [dreg:$0x0];
	s2 =	stileid.u32  }
0xe8: {  	s1 =	rddreg [dreg:$0x1];
	p0 =	sne.s32 s2, $0x0  }
0xe9: {  	s3 =	rddreg [dreg:$0x2];
	[bflag:$0x3] =	sbarrier.arrive $0xFFFF;
	s2 =	simm.s32 @!p0 $0x1C03  }
0xea: {  	[timem:s3], [sflag:s2] =	dma.local @!p0 [hbm:s0], s1  }
0xeb: {  	s0 =	simm.s32 @!p0 $0x3  }
0xec: {  	_ =	swait.ge @!p0 [sflag:s0], s1  }
0xed: {  	s1 =	ssub.s32 @!p0 $0x0, s1;
	[sflag:s0] =	ssyncset.done @!p0 $0x0  }
0xee: {  	[sflag:s0] =	ssyncadd.s32 @!p0 s1  }
0xef: {  	[bflag:$0x3] =	sbarrier.arrive $0xFFFF  }
0xf0: {  	_ =	shalt  }

// kernel: kernel.7.cloned.1.call-start
scs
__scs_entry_jumppad:
0x0: {  	(pc) =	sbr.rel $0x88, $3  }
0x1: {  	(tag) =	ssettag $0x0;
	lr =	simm.s32 $0x1  }
0x2: {  	[smem:$0x3F98] =	sst lr;
	_ =	strace $0xD0000000  }
0x3: {  	_ = 	snop  }
0x4: {  	_ = 	snop  }
0x5: {  	_ = 	snop  }
0x6: {  	_ = 	snop  }
0x7: {  	_ = 	snop  }
__scs_overlays_trampoline_lowered:
0x8: {  	[smem:$0x3FA7] =	sst s0  }
0x9: {  	[smem:$0x3FA8] =	sst s1  }
0xa: {  	[smem:$0x3FA9] =	sst s2  }
0xb: {  	[smem:$0x3FAA] =	sst s3  }
0xc: {  	[smem:$0x3FAB] =	sst s4  }
0xd: {  	[smem:$0x3FAC] =	sst s5  }
0xe: {  	[smem:$0x3FAD] =	sst s6  }
0xf: {  	[smem:$0x3FAE] =	sst s7  }
0x10: {  	[smem:$0x3FAF] =	sst s8  }
0x11: {  	[smem:$0x3FB0] =	sst s9;
	s0 =	simm.s32 @!p0 $0x0  }
0x12: {  	s1 =	sld [smem:$0x3F96];
	s0 =	simm.s32 @p0 $0x1  }
0x13: {  	[smem:$0x3FB1] =	sst s0;
	s0 =	simm.s32 @!p1 $0x0  }
0x14: {  	s2 =	sld [smem:$0x3F95];
	s0 =	simm.s32 @p1 $0x1  }
0x15: {  	[smem:$0x3FB2] =	sst s0;
	s0 =	simm.s32 @!p2 $0x0  }
0x16: {  	s3 =	sld [smem:$0x3FDB];
	s0 =	simm.s32 @p2 $0x1  }
0x17: {  	s4 =	simm.s32 $0x1BF5;
	[smem:$0x3FB4] =	sst s0  }
0x18: {  	s0 =	sld [smem:$0x3F97];
	_ =	swait.ge [sflag:s4], $0x0  }
0x19: {  	s7 =	sld [smem:$0x3F98]  }
0x1a: {  	s8 =	sadd.s32 $0xFFFFE003, lr  }
0x1b: {  	s9 =	sadd.s32 $0xFFFFFEF7, lr;
	s5 =	simm.s32 $0xFFFFFFFF;
	p2 =	slt.u32 s8, $0xFFFFF086  }
0x1c: {  	p1 =	slt.u32 s9, $0xF7A;
	s5 =	simm.s32 @!p2 $0x0  }
0x1d: {  	s5 =	simm.s32 @p1 $0x1;
	p0 =	seq.s32 s7, s2  }
0x1e: {  	s7 =	smul.u32 @!p0 $0xF7A, s2;
	p2 =	seq.s32 @!p0 s5, $0x0  }
0x1f: {  	s9 =	smul.u32 $0xF7A, s1;
	s8 =	simm.s32 @!p0 $0x1BF5;
	p2 =	por !p2, p0  }
0x20: {  	[sflag:s8] =	ssyncset.s32 @!p0 $0xFFFFF086;
	s6 =	sadd.s32 @!p0 s3, s7;
	s7 =	simm.s32 @!p0 $0x108  }
0x21: {  	s3 =	sadd.s32 s3, s9;
	s6 =	sadd.s32 @!p0 $0x88, s6;
	s7 =	simm.s32 @p2 $0x1082  }
0x22: {  	[simem:s7], [sflag:s8] =	dma.local @!p0 [hbm:s6], $0xF7A  }
0x23: {  	s9 =	sor.u32 $0xD0000000, s2;
	s6 =	simm.s32 $0x108;
	_ =	swait.ge @!p0 [sflag:s8], $0x0  }
0x24: {  	s3 =	sadd.s32 $0x88, s3;
	s6 =	simm.s32 @!p1 $0x1082;
	[sflag:s4] =	ssyncset.s32 $0xFFFFF086  }
0x25: {  	[simem:s6], [sflag:s4] =	dma.local [hbm:s3], $0xF7A  }
0x26: {  	[smem:$0x3F98] =	sst s1;
	(tag) =	ssettag s2;
	_ =	strace s9  }
0x27: {  	s1 =	sld [smem:$0x3FA8]  }
0x28: {  	s2 =	sld [smem:$0x3FA9]  }
0x29: {  	s4 =	sld [smem:$0x3FAB]  }
0x2a: {  	p0 =	seq.s32 s5, $0x0;
	s5 =	sld [smem:$0x3FAC]  }
0x2b: {  	s6 =	sld [smem:$0x3FAD]  }
0x2c: {  	s7 =	sld [smem:$0x3FAE]  }
0x2d: {  	s3 =	simm.s32 $0x108;
	s8 =	sld [smem:$0x3FAF]  }
0x2e: {  	s3 =	simm.s32 @!p0 $0x1082;
	s9 =	sld [smem:$0x3FB0]  }
0x2f: {  	lr =	sadd.s32 s0, s3;
	s0 =	sld [smem:$0x3FA7]  }
0x30: {  	s3 =	sld [smem:$0x3FAA]  }
0x31: {  	[smem:$0x3FB3] =	sst s10  }
0x32: {  	s10 =	sld [smem:$0x3FB1];
	_ =	sdelay $0x3  }
0x33: {  	p0 =	seq.s32 s10, $0x1;
	s10 =	sld [smem:$0x3FB3];
	_ =	sdelay $0x3  }
0x34: {  	[smem:$0x3FB3] =	sst s10  }
0x35: {  	s10 =	sld [smem:$0x3FB2];
	_ =	sdelay $0x3  }
0x36: {  	p1 =	seq.s32 s10, $0x1;
	s10 =	sld [smem:$0x3FB3];
	_ =	sdelay $0x3  }
0x37: {  	[smem:$0x3FB3] =	sst s10  }
0x38: {  	s10 =	sld [smem:$0x3FB4]  }
0x39: {  	_ = 	snop;
	(pc) =	sbr.ind lr, $3  }
0x3a: {  	_ = 	snop  }
0x3b: {  	_ = 	snop  }
0x3c: {  	p2 =	seq.s32 s10, $0x1;
	s10 =	sld [smem:$0x3FB3]  }
0x3d: {  	_ =	shalt  }
0x3e: {  	_ =	shalt  }
0x3f: {  	_ =	shalt  }
0x40: {  	_ =	shalt  }
0x41: {  	_ =	shalt  }
0x42: {  	_ =	shalt  }
0x43: {  	_ =	shalt  }
0x44: {  	_ =	shalt  }
0x45: {  	_ =	shalt  }
0x46: {  	_ =	shalt  }
0x47: {  	_ =	shalt  }
0x48: {  	_ =	shalt  }
0x49: {  	_ =	shalt  }
0x4a: {  	_ =	shalt  }
0x4b: {  	_ =	shalt  }
0x4c: {  	_ =	shalt  }
0x4d: {  	_ =	shalt  }
0x4e: {  	_ =	shalt  }
0x4f: {  	_ =	shalt  }
0x50: {  	_ =	shalt  }
0x51: {  	_ =	shalt  }
0x52: {  	_ =	shalt  }
0x53: {  	_ =	shalt  }
0x54: {  	_ =	shalt  }
0x55: {  	_ =	shalt  }
0x56: {  	_ =	shalt  }
0x57: {  	_ =	shalt  }
0x58: {  	_ =	shalt  }
0x59: {  	_ =	shalt  }
0x5a: {  	_ =	shalt  }
0x5b: {  	_ =	shalt  }
0x5c: {  	_ =	shalt  }
0x5d: {  	_ =	shalt  }
0x5e: {  	_ =	shalt  }
0x5f: {  	_ =	shalt  }
0x60: {  	_ =	shalt  }
0x61: {  	_ =	shalt  }
0x62: {  	_ =	shalt  }
0x63: {  	_ =	shalt  }
0x64: {  	_ =	shalt  }
0x65: {  	_ =	shalt  }
0x66: {  	_ =	shalt  }
0x67: {  	_ =	shalt  }
0x68: {  	_ =	shalt  }
0x69: {  	_ =	shalt  }
0x6a: {  	_ =	shalt  }
0x6b: {  	_ =	shalt  }
0x6c: {  	_ =	shalt  }
0x6d: {  	_ =	shalt  }
0x6e: {  	_ =	shalt  }
0x6f: {  	_ =	shalt  }
0x70: {  	_ =	shalt  }
0x71: {  	_ =	shalt  }
0x72: {  	_ =	shalt  }
0x73: {  	_ =	shalt  }
0x74: {  	_ =	shalt  }
0x75: {  	_ =	shalt  }
0x76: {  	_ =	shalt  }
0x77: {  	_ =	shalt  }
0x78: {  	_ =	shalt  }
0x79: {  	_ =	shalt  }
0x7a: {  	_ =	shalt  }
0x7b: {  	_ =	shalt  }
0x7c: {  	_ =	shalt  }
0x7d: {  	_ =	shalt  }
0x7e: {  	_ =	shalt  }
0x7f: {  	_ =	shalt  }
0x80: {  	_ =	shalt  }
0x81: {  	_ =	shalt  }
0x82: {  	_ =	shalt  }
0x83: {  	_ =	shalt  }
0x84: {  	_ =	shalt  }
0x85: {  	_ =	shalt  }
0x86: {  	_ =	shalt  }
0x87: {  	_ =	shalt  }
.Lfunc_end0:
.L_simem_size_0:
called_computation.1_lowered:
.L_overlay_start_0:
0x88: {  	s2 =	sld [smem:$0x3FD9]  }
0x89: {  	s3 =	sld [smem:$0x3FFE];
	_ =	sdelay $0x1  }
0x8a: {  	s1 =	srdreg.scid  }
0x8b: {  	s0 =	sand.u32 $0x1, s1  }
0x8c: {  	s17 =	sshll.u32 s0, $0xA;
	s2 =	sadd.s32 s3, s2  }
0x8d: {  	s2 =	sadd.s32 s2, s17  }
0x8e: {  	[smem:$0x3FBF] =	sst s2  }
0x8f: {  	_ = 	snop  }
0x90: {  	s2 =	sld [smem:$0x3FC9];
	(tm) =	ssettm $0x1  }
0x91: {  	s18 =	sld [smem:$0x3FFB];
	_ =	sdelay $0x3  }
0x92: {  	_ =	strace s18  }
0x93: {  	s3 =	sld [smem:$0x3FFC];
	_ =	sdelay $0x3  }
0x94: {  	_ =	strace s3  }
0x95: {  	s3 =	sld [smem:$0x3FFD];
	_ =	sdelay $0x3  }
0x96: {  	_ =	strace s3  }
0x97: {  	_ =	strace $0x8FFFFFFF  }
0x98: {  	s19 =	sld [smem:$0x3FDB];
	_ =	sdelay $0x1  }
0x99: {  	s4 =	simm.s32 $_scs_section_size  }
0x9a: {  	s5 =	simm.s32 $_size__tile_overlayer_lowered;
	s6 =	simm.s32 $_tile_overlayer_lowered  }
0x9b: {  	s22 =	simm.s32 $0x1BFF;
	s21 =	sshll.u32 s6, $0x1;
	s3 =	sadd.s32 s4, s19  }
0x9c: {  	s7 =	simm.s32 $0x0;
	s20 =	sshll.u32 s5, $0x1;
	s5 =	sadd.s32 s21, s3  }
0x9d: {  	[timem:s7], [sflag:s22] =	dma.local [hbm:s5], s20  }
0x9e: {  	_ =	swait.ge [sflag:s22], s20  }
0x9f: {  	s4 =	ssub.s32 $0x0, s20;
	[sflag:s22] =	ssyncset.done $0x0  }
0xa0: {  	[sflag:s22] =	ssyncadd.s32 s4;
	_ =	sdelay $0x1  }
0xa1: {  	s23 =	simm.s32 $0x1B8B  }
0xa2: {  	_ =	swait.ge [sflag:s23], $0x1  }
0xa3: {  	[sflag:s23] =	ssyncset.done $0x0  }
0xa4: {  	s25 =	simm.s32 $0x1B8E;
	s24 =	sld [smem:$0x3FFE];
	[sflag:s23] =	ssyncadd.s32 $0xFFFFFFFF  }
0xa5: {  	s26 =	simm.s32 $execute0_lowered;
	[smem:$0x3FD2] =	sst s25  }
0xa6: {  	s5 =	sshll.u32 s26, $0x1;
	_ =	strace $0x80000049;
	[dreg:$0x1] =	wrdreg $0xFFFFFFFF  }
0xa7: {  	s28 =	simm.s32 $_size_execute0_lowered;
	s3 =	sadd.s32 s3, s5;
	[dreg:$0x0] =	wrdreg $0x0  }
0xa8: {  	s5 =	sshll.u32 s28, $0x1;
	[dreg:$0x2] =	wrdreg s3  }
0xa9: {  	[dreg:$0x3] =	wrdreg s5  }
0xaa: {  	[dreg:$0x4] =	wrdreg $0xC0  }
0xab: {  	_ =	task [dreg:s7], $0x5FFFF  }
0xac: {  	[dreg:$0x1] =	wrdreg $0xFFFFFFFF  }
0xad: {  	[dreg:$0x0] =	wrdreg $0x60  }
0xae: {  	[dreg:$0x2] =	wrdreg s2  }
0xaf: {  	[dreg:$0x3] =	wrdreg s24  }
0xb0: {  	[dreg:$0x4] =	wrdreg $0x9  }
0xb1: {  	_ =	task.clear_ibuf [dreg:s7], $0x5FFFF;
	_ =	strace $0x90000049  }
0xb2: {  	s29 =	simm.s32 $0x9;
	_ =	strace $0x8000004B  }
0xb3: {  	_ =	swait.ge [sflag:s29], $0x1  }
0xb4: {  	[sflag:s29] =	ssyncadd.s32 $0xFFFFFFFF  }
0xb5: {  	_ =	strace $0x9000004B  }
0xb6: {  	_ =	sfence  }
0xb7: {  	s30 =	sld [smem:$0x0];
	_ =	sdelay $0x2  }
0xb8: {  	s31 =	sshll.u32 s1, $0xD;
	s1 =	sshrl.u32 s1, $0x2  }
0xb9: {  	s3 =	sand.u32 $0x4000, s31;
	s1 =	sadd.s32 s1, s30  }
0xba: {  	s0 =	sor.u32 s3, s0;
	s1 =	sshll.u32 s1, $0x11  }
0xbb: {  	s0 =	sor.u32 s1, s0  }
0xbc: {  	s0 =	sadd.s32 $0x8F2B, s0  }
0xbd: {  	[sflag:s0] =	ssyncadd.remote.s32 $0x1  }
0xbe: {  	_ =	sfence.sel $0xFFFF  }
0xbf: {  	[dreg:$0x0] =	wrdreg $0xFFFFFFFF;
	(pc) =	sbr.abs _section_cstart, $3  }
0xc0: {  	[dreg:$0x1] =	wrdreg $0xFFFFFFFF  }
0xc1: {  	_ =	task.clear_ibuf [dreg:s7], $0x2FFFF;
	_ =	strace $0x9FFFFFFF  }
0xc2: {  	(tm) =	ssettm $0x7FFFFFFF  }
0xc3: {  	_ =	shalt  }
tec
execute0_lowered:
.L_overlay_start_1:
0x0: {  	(tag) =	ssettag $0x1  }
0x1: {  	s2 =	rddreg [dreg:$0x0]  }
0x2: {  	s0 =	srdreg.scid;
	s3 =	stileid.u32  }
0x3: {  	s1 =	rddreg [dreg:$0x1];
	s8 =	simm.s32 $0x3;
	s9 =	simm.s32 $0x400  }
0x4: {  	s28 =	simm.s32 $0x3400;
	s29 =	simm.s32 $0x3C00;
	s30 =	simm.s32 $0x4400  }
0x5: {  	s31 =	simm.s32 $0x4C00;
	s16 =	simm.s32 $0x5400;
	s15 =	simm.s32 $0x5C00  }
0x6: {  	s11 =	simm.s32 $0x6C00;
	s0 =	sand.u32 $0x1, s0;
	s4 =	sshll.u32 s3, $0x1  }
0x7: {  	s12 =	simm.s32 $0x7400;
	s13 =	simm.s32 $0x7C00;
	s4 =	sor.u32 s0, s4  }
0x8: {  	s3 =	simm.s32 $0x0;
	s5 =	sshll.u32 s4, $0xF;
	s4 =	sshll.u32 s4, $0x7  }
0x9: {  	[smem:$0x7FF] =	sst s3;
	s5 =	sadd.s32 s5, s1;
	s1 =	sadd.s32 s1, s4  }
0xa: {  	_ =	strace $0x8000004A;
	[dreg:$0x3] =	wrdreg s1;
	s18 =	sadd.s32 $0x12800, s5  }
0xb: {  	s6 =	sadd.s32 $0x300, s2;
	s19 =	sadd.s32 $0x13800, s5;
	[dreg:$0x4] =	wrdreg s18  }
0xc: {  	s0 =	ssub.s32 $0x2, s0;
	s20 =	sadd.s32 $0x14800, s5;
	[dreg:$0x5] =	wrdreg s19  }
0xd: {  	s23 =	sshrl.u32 s0, $0x1;
	s21 =	sadd.s32 $0x15800, s5;
	[dreg:$0x6] =	wrdreg s20  }
0xe: {  	s0 =	ssub.s32 s0, s23;
	s22 =	sadd.s32 $0x16800, s5;
	[dreg:$0x7] =	wrdreg s21  }
0xf: {  	s4 =	sadd.s32 $0x100, s2;
	s24 =	sadd.s32 $0x17800, s5;
	[dreg:$0x8] =	wrdreg s22  }
0x10: {  	s23 =	simm.s32 $0x1C00;
	s25 =	sadd.s32 $0x18800, s5;
	[dreg:$0x9] =	wrdreg s24  }
0x11: {  	s26 =	sadd.s32 $0x19800, s5;
	s5 =	sadd.s32 $0x200, s2;
	[dreg:$0xa] =	wrdreg s25  }
0x12: {  	v2 =	vlaneseq.u32;
	s7 =	smax.u32 s0, $0x1;
	[dreg:$0xb] =	wrdreg s26;
	s25 =	simm.s32 $0x8400  }
0x13: {  	vm0 =	vmmov $0xffff;
	v1 =	vshrl.u32 v2, $0x3;
	s18 =	simm.s32 $0x1;
	s19 =	simm.s32 $0x2;
	s21 =	simm.s32 $0xC00  }
0x14: {  	v0 =	vand.u32 $0x7, v2;
	v2 =	vor.u32 $0x8, v2;
	v1 =	vmul.u32 $0x8, v1;
	s22 =	simm.s32 $0x1400;
	s24 =	simm.s32 $0x2400;
	s26 =	simm.s32 $0x2C00  }
.LBB2_1:
0x15: {  	s20 =	rddreg [dreg:$0x3]  }
0x16: {  	[tilespmem:s3], [sflag:$0x3] =	stream.linear.gather [hbm4b:s20+s3], $0x400, $0x38;
	[tilespmem:$0x10400] =	vst v63  }
0x17: {  	_ =	swait.ge [sflag:s8], $0x400  }
0x18: {  	[sflag:s8] =	ssyncset.done $0x0  }
0x19: {  	[sflag:s8] =	ssyncadd.s32 $0xFFFFFC00  }
0x1a: {  	v3 =	vld [tilespmem:$0x0];
	_ =	sdelay $0x4  }
0x1b: {  	v4 =	vshll.u32 v3, $0x3  }
0x1c: {  	v3 =	vand.u32 $0x7, v3;
	v4 =	vand.u32 $0xFFFFFFC0, v4  }
0x1d: {  	v3 =	vor.u32 v3, v4  }
0x1e: {  	v4 =	vperm.xlane v3, v0;
	_ =	sdelay $0x1  }
0x1f: {  	v4 =	vadd.s32 v1, v4;
	_ =	sdelay $0x4  }
0x20: {  	[tilespmem:s9], [sflag:$0x1] =	stream.indirect_vreg.gather [hbm4b:s2+s3], $0x80, v4, vm0, $0xb8;
	[tilespmem:$0x10400] =	vst v63  }
0x21: {  	v3 =	vperm.xlane v3, v2  }
0x22: {  	[tilespmem:s21], [sflag:$0x1] =	stream.indirect_vreg.gather [hbm4b:s4+s3], $0x80, v4, vm0, $0xb8;
	[tilespmem:$0x10400] =	vst v63  }
0x23: {  	v3 =	vadd.s32 v1, v3  }
0x24: {  	[tilespmem:s22], [sflag:$0x1] =	stream.indirect_vreg.gather [hbm4b:s5+s3], $0x80, v4, vm0, $0xb8;
	[tilespmem:$0x10400] =	vst v63  }
0x25: {  	_ = 	snop  }
0x26: {  	[tilespmem:s23], [sflag:$0x1] =	stream.indirect_vreg.gather [hbm4b:s6+s3], $0x80, v4, vm0, $0xb8;
	[tilespmem:$0x10400] =	vst v63  }
0x27: {  	_ = 	snop  }
0x28: {  	[tilespmem:s24], [sflag:$0x1] =	stream.indirect_vreg.gather [hbm4b:s2+s3], $0x80, v3, vm0, $0xb8;
	[tilespmem:$0x10400] =	vst v63  }
0x29: {  	_ = 	snop  }
0x2a: {  	[tilespmem:s26], [sflag:$0x1] =	stream.indirect_vreg.gather [hbm4b:s4+s3], $0x80, v3, vm0, $0xb8;
	[tilespmem:$0x10400] =	vst v63  }
0x2b: {  	_ = 	snop  }
0x2c: {  	[tilespmem:s28], [sflag:$0x1] =	stream.indirect_vreg.gather [hbm4b:s5+s3], $0x80, v3, vm0, $0xb8;
	[tilespmem:$0x10400] =	vst v63  }
0x2d: {  	_ = 	snop  }
0x2e: {  	[tilespmem:s29], [sflag:$0x1] =	stream.indirect_vreg.gather [hbm4b:s6+s3], $0x80, v3, vm0, $0xb8;
	[tilespmem:$0x10400] =	vst v63  }
0x2f: {  	v3 =	vld [tilespmem:$0x10];
	_ =	sdelay $0x4  }
0x30: {  	v49 =	vshll.u32 v3, $0x3  }
0x31: {  	v3 =	vand.u32 $0x7, v3;
	v4 =	vand.u32 $0xFFFFFFC0, v49  }
0x32: {  	v3 =	vor.u32 v3, v4  }
0x33: {  	v4 =	vperm.xlane v3, v0;
	_ =	sdelay $0x1  }
0x34: {  	v4 =	vadd.s32 v1, v4;
	_ =	sdelay $0x4  }
0x35: {  	[tilespmem:s30], [sflag:$0x1] =	stream.indirect_vreg.gather [hbm4b:s2+s3], $0x80, v4, vm0, $0xb8;
	[tilespmem:$0x10400] =	vst v63  }
0x36: {  	v3 =	vperm.xlane v3, v2  }
0x37: {  	[tilespmem:s31], [sflag:$0x1] =	stream.indirect_vreg.gather [hbm4b:s4+s3], $0x80, v4, vm0, $0xb8;
	[tilespmem:$0x10400] =	vst v63  }
0x38: {  	v3 =	vadd.s32 v1, v3  }
0x39: {  	[tilespmem:s16], [sflag:$0x1] =	stream.indirect_vreg.gather [hbm4b:s5+s3], $0x80, v4, vm0, $0xb8;
	[tilespmem:$0x10400] =	vst v63  }
0x3a: {  	_ = 	snop  }
0x3b: {  	[tilespmem:s15], [sflag:$0x1] =	stream.indirect_vreg.gather [hbm4b:s6+s3], $0x80, v4, vm0, $0xb8;
	[tilespmem:$0x10400] =	vst v63  }
0x3c: {  	s10 =	simm.s32 $0x6400  }
0x3d: {  	[tilespmem:s10], [sflag:$0x1] =	stream.indirect_vreg.gather [hbm4b:s2+s3], $0x80, v3, vm0, $0xb8;
	[tilespmem:$0x10400] =	vst v63  }
0x3e: {  	_ = 	snop  }
0x3f: {  	[tilespmem:s11], [sflag:$0x1] =	stream.indirect_vreg.gather [hbm4b:s4+s3], $0x80, v3, vm0, $0xb8;
	[tilespmem:$0x10400] =	vst v63  }
0x40: {  	_ = 	snop  }
0x41: {  	[tilespmem:s12], [sflag:$0x1] =	stream.indirect_vreg.gather [hbm4b:s5+s3], $0x80, v3, vm0, $0xb8;
	[tilespmem:$0x10400] =	vst v63  }
0x42: {  	_ = 	snop  }
0x43: {  	[tilespmem:s13], [sflag:$0x1] =	stream.indirect_vreg.gather [hbm4b:s6+s3], $0x80, v3, vm0, $0xb8;
	[tilespmem:$0x10400] =	vst v63  }
0x44: {  	v3 =	vld [tilespmem:$0x80];
	_ =	sdelay $0x4  }
0x45: {  	v50 =	vshll.u32 v3, $0x3  }
0x46: {  	v3 =	vand.u32 $0x7, v3;
	v4 =	vand.u32 $0xFFFFFFC0, v50  }
0x47: {  	v3 =	vor.u32 v3, v4  }
0x48: {  	v4 =	vperm.xlane v3, v0;
	_ =	sdelay $0x1  }
0x49: {  	v4 =	vadd.s32 v1, v4;
	_ =	sdelay $0x4  }
0x4a: {  	[tilespmem:s25], [sflag:$0x2] =	stream.indirect_vreg.gather [hbm4b:s2+s3], $0x80, v4, vm0, $0xb8;
	[tilespmem:$0x10400] =	vst v63  }
0x4b: {  	s14 =	simm.s32 $0x8C00;
	v3 =	vperm.xlane v3, v2  }
0x4c: {  	[tilespmem:s14], [sflag:$0x2] =	stream.indirect_vreg.gather [hbm4b:s4+s3], $0x80, v4, vm0, $0xb8;
	[tilespmem:$0x10400] =	vst v63  }
0x4d: {  	s17 =	simm.s32 $0x9400;
	v3 =	vadd.s32 v1, v3  }
0x4e: {  	[tilespmem:s17], [sflag:$0x2] =	stream.indirect_vreg.gather [hbm4b:s5+s3], $0x80, v4, vm0, $0xb8;
	[tilespmem:$0x10400] =	vst v63  }
0x4f: {  	s20 =	simm.s32 $0x9C00  }
0x50: {  	[tilespmem:s20], [sflag:$0x2] =	stream.indirect_vreg.gather [hbm4b:s6+s3], $0x80, v4, vm0, $0xb8;
	[tilespmem:$0x10400] =	vst v63  }
0x51: {  	s1 =	simm.s32 $0xA400  }
0x52: {  	[tilespmem:s1], [sflag:$0x2] =	stream.indirect_vreg.gather [hbm4b:s2+s3], $0x80, v3, vm0, $0xb8;
	[tilespmem:$0x10400] =	vst v63  }
0x53: {  	s17 =	simm.s32 $0xAC00  }
0x54: {  	[tilespmem:s17], [sflag:$0x2] =	stream.indirect_vreg.gather [hbm4b:s4+s3], $0x80, v3, vm0, $0xb8;
	[tilespmem:$0x10400] =	vst v63  }
0x55: {  	s1 =	simm.s32 $0xB400  }
0x56: {  	[tilespmem:s1], [sflag:$0x2] =	stream.indirect_vreg.gather [hbm4b:s5+s3], $0x80, v3, vm0, $0xb8;
	[tilespmem:$0x10400] =	vst v63  }
0x57: {  	s14 =	simm.s32 $0xBC00  }
0x58: {  	[tilespmem:s14], [sflag:$0x2] =	stream.indirect_vreg.gather [hbm4b:s6+s3], $0x80, v3, vm0, $0xb8;
	[tilespmem:$0x10400] =	vst v63  }
0x59: {  	v3 =	vld [tilespmem:$0x90];
	_ =	sdelay $0x4  }
0x5a: {  	v51 =	vshll.u32 v3, $0x3  }
0x5b: {  	v3 =	vand.u32 $0x7, v3;
	v4 =	vand.u32 $0xFFFFFFC0, v51  }
0x5c: {  	v3 =	vor.u32 v3, v4  }
0x5d: {  	v4 =	vperm.xlane v3, v0;
	_ =	sdelay $0x1  }
0x5e: {  	v4 =	vadd.s32 v1, v4;
	_ =	sdelay $0x3  }
0x5f: {  	s17 =	simm.s32 $0xC400  }
0x60: {  	[tilespmem:s17], [sflag:$0x2] =	stream.indirect_vreg.gather [hbm4b:s2+s3], $0x80, v4, vm0, $0xb8;
	[tilespmem:$0x10400] =	vst v63  }
0x61: {  	s1 =	simm.s32 $0xCC00;
	v3 =	vperm.xlane v3, v2  }
0x62: {  	[tilespmem:s1], [sflag:$0x2] =	stream.indirect_vreg.gather [hbm4b:s4+s3], $0x80, v4, vm0, $0xb8;
	[tilespmem:$0x10400] =	vst v63  }
0x63: {  	v3 =	vadd.s32 v1, v3;
	s1 =	simm.s32 $0xD400  }
0x64: {  	[tilespmem:s1], [sflag:$0x2] =	stream.indirect_vreg.gather [hbm4b:s5+s3], $0x80, v4, vm0, $0xb8;
	[tilespmem:$0x10400] =	vst v63  }
0x65: {  	s1 =	simm.s32 $0xDC00  }
0x66: {  	[tilespmem:s1], [sflag:$0x2] =	stream.indirect_vreg.gather [hbm4b:s6+s3], $0x80, v4, vm0, $0xb8;
	[tilespmem:$0x10400] =	vst v63  }
0x67: {  	s1 =	simm.s32 $0xE400  }
0x68: {  	[tilespmem:s1], [sflag:$0x2] =	stream.indirect_vreg.gather [hbm4b:s2+s3], $0x80, v3, vm0, $0xb8;
	[tilespmem:$0x10400] =	vst v63  }
0x69: {  	s1 =	simm.s32 $0xEC00  }
0x6a: {  	[tilespmem:s1], [sflag:$0x2] =	stream.indirect_vreg.gather [hbm4b:s4+s3], $0x80, v3, vm0, $0xb8;
	[tilespmem:$0x10400] =	vst v63  }
0x6b: {  	s1 =	simm.s32 $0xF400  }
0x6c: {  	[tilespmem:s1], [sflag:$0x2] =	stream.indirect_vreg.gather [hbm4b:s5+s3], $0x80, v3, vm0, $0xb8;
	[tilespmem:$0x10400] =	vst v63  }
0x6d: {  	s1 =	simm.s32 $0xFC00  }
0x6e: {  	[tilespmem:s1], [sflag:$0x2] =	stream.indirect_vreg.gather [hbm4b:s6+s3], $0x80, v3, vm0, $0xb8;
	[tilespmem:$0x10400] =	vst v63  }
0x6f: {  	_ =	swait.ge [sflag:s18], $0x8000  }
0x70: {  	[sflag:s18] =	ssyncset.done $0x0  }
0x71: {  	s1 =	rddreg [dreg:$0x4];
	[sflag:s18] =	ssyncadd.s32 $0xFFFF8000  }
0x72: {  	[hbm4b:s1+s3] =	stream.linear.scatter [tilespmem:s9], [sflag:$0x3], $0x8000, $0x38;
	[tilespmem:$0x10400] =	vst v63  }
0x73: {  	_ =	swait.ge [sflag:s8], $0x8000  }
0x74: {  	[sflag:s8] =	ssyncset.done $0x0  }
0x75: {  	[sflag:s8] =	ssyncadd.s32 $0xFFFF8000  }
0x76: {  	v3 =	vld [tilespmem:$0x100];
	_ =	sdelay $0x4  }
0x77: {  	v52 =	vshll.u32 v3, $0x3  }
0x78: {  	v3 =	vand.u32 $0x7, v3;
	v4 =	vand.u32 $0xFFFFFFC0, v52  }
0x79: {  	v3 =	vor.u32 v3, v4  }
0x7a: {  	v4 =	vperm.xlane v3, v0;
	_ =	sdelay $0x1  }
0x7b: {  	v4 =	vadd.s32 v1, v4;
	_ =	sdelay $0x4  }
0x7c: {  	[tilespmem:s9], [sflag:$0x1] =	stream.indirect_vreg.gather [hbm4b:s2+s3], $0x80, v4, vm0, $0xb8;
	[tilespmem:$0x10400] =	vst v63  }
0x7d: {  	v3 =	vperm.xlane v3, v2  }
0x7e: {  	[tilespmem:s21], [sflag:$0x1] =	stream.indirect_vreg.gather [hbm4b:s4+s3], $0x80, v4, vm0, $0xb8;
	[tilespmem:$0x10400] =	vst v63  }
0x7f: {  	v3 =	vadd.s32 v1, v3  }
0x80: {  	[tilespmem:s22], [sflag:$0x1] =	stream.indirect_vreg.gather [hbm4b:s5+s3], $0x80, v4, vm0, $0xb8;
	[tilespmem:$0x10400] =	vst v63  }
0x81: {  	_ = 	snop  }
0x82: {  	[tilespmem:s23], [sflag:$0x1] =	stream.indirect_vreg.gather [hbm4b:s6+s3], $0x80, v4, vm0, $0xb8;
	[tilespmem:$0x10400] =	vst v63  }
0x83: {  	_ = 	snop  }
0x84: {  	[tilespmem:s24], [sflag:$0x1] =	stream.indirect_vreg.gather [hbm4b:s2+s3], $0x80, v3, vm0, $0xb8;
	[tilespmem:$0x10400] =	vst v63  }
0x85: {  	_ = 	snop  }
0x86: {  	[tilespmem:s26], [sflag:$0x1] =	stream.indirect_vreg.gather [hbm4b:s4+s3], $0x80, v3, vm0, $0xb8;
	[tilespmem:$0x10400] =	vst v63  }
0x87: {  	_ = 	snop  }
0x88: {  	[tilespmem:s28], [sflag:$0x1] =	stream.indirect_vreg.gather [hbm4b:s5+s3], $0x80, v3, vm0, $0xb8;
	[tilespmem:$0x10400] =	vst v63  }
0x89: {  	_ = 	snop  }
0x8a: {  	[tilespmem:s29], [sflag:$0x1] =	stream.indirect_vreg.gather [hbm4b:s6+s3], $0x80, v3, vm0, $0xb8;
	[tilespmem:$0x10400] =	vst v63  }
0x8b: {  	v3 =	vld [tilespmem:$0x110];
	_ =	sdelay $0x4  }
0x8c: {  	v53 =	vshll.u32 v3, $0x3  }
0x8d: {  	v3 =	vand.u32 $0x7, v3;
	v4 =	vand.u32 $0xFFFFFFC0, v53  }
0x8e: {  	v3 =	vor.u32 v3, v4  }
0x8f: {  	v4 =	vperm.xlane v3, v0;
	_ =	sdelay $0x1  }
0x90: {  	v4 =	vadd.s32 v1, v4;
	_ =	sdelay $0x4  }
0x91: {  	[tilespmem:s30], [sflag:$0x1] =	stream.indirect_vreg.gather [hbm4b:s2+s3], $0x80, v4, vm0, $0xb8;
	[tilespmem:$0x10400] =	vst v63  }
0x92: {  	v3 =	vperm.xlane v3, v2  }
0x93: {  	[tilespmem:s31], [sflag:$0x1] =	stream.indirect_vreg.gather [hbm4b:s4+s3], $0x80, v4, vm0, $0xb8;
	[tilespmem:$0x10400] =	vst v63  }
0x94: {  	v3 =	vadd.s32 v1, v3  }
0x95: {  	[tilespmem:s16], [sflag:$0x1] =	stream.indirect_vreg.gather [hbm4b:s5+s3], $0x80, v4, vm0, $0xb8;
	[tilespmem:$0x10400] =	vst v63  }
0x96: {  	_ = 	snop  }
0x97: {  	[tilespmem:s15], [sflag:$0x1] =	stream.indirect_vreg.gather [hbm4b:s6+s3], $0x80, v4, vm0, $0xb8;
	[tilespmem:$0x10400] =	vst v63  }
0x98: {  	_ = 	snop  }
0x99: {  	[tilespmem:s10], [sflag:$0x1] =	stream.indirect_vreg.gather [hbm4b:s2+s3], $0x80, v3, vm0, $0xb8;
	[tilespmem:$0x10400] =	vst v63  }
0x9a: {  	_ = 	snop  }
0x9b: {  	[tilespmem:s11], [sflag:$0x1] =	stream.indirect_vreg.gather [hbm4b:s4+s3], $0x80, v3, vm0, $0xb8;
	[tilespmem:$0x10400] =	vst v63  }
0x9c: {  	_ = 	snop  }
0x9d: {  	[tilespmem:s12], [sflag:$0x1] =	stream.indirect_vreg.gather [hbm4b:s5+s3], $0x80, v3, vm0, $0xb8;
	[tilespmem:$0x10400] =	vst v63  }
0x9e: {  	_ = 	snop  }
0x9f: {  	[tilespmem:s13], [sflag:$0x1] =	stream.indirect_vreg.gather [hbm4b:s6+s3], $0x80, v3, vm0, $0xb8;
	[tilespmem:$0x10400] =	vst v63  }
0xa0: {  	_ =	swait.ge [sflag:s19], $0x8000  }
0xa1: {  	[sflag:s19] =	ssyncset.done $0x0  }
0xa2: {  	s1 =	rddreg [dreg:$0x5];
	[sflag:s19] =	ssyncadd.s32 $0xFFFF8000  }
0xa3: {  	[hbm4b:s1+s3] =	stream.linear.scatter [tilespmem:s25], [sflag:$0x3], $0x8000, $0x38;
	[tilespmem:$0x10400] =	vst v63  }
0xa4: {  	_ =	swait.ge [sflag:s8], $0x8000  }
0xa5: {  	[sflag:s8] =	ssyncset.done $0x0  }
0xa6: {  	[sflag:s8] =	ssyncadd.s32 $0xFFFF8000  }
0xa7: {  	v3 =	vld [tilespmem:$0x180];
	_ =	sdelay $0x4  }
0xa8: {  	v54 =	vshll.u32 v3, $0x3  }
0xa9: {  	v3 =	vand.u32 $0x7, v3;
	v4 =	vand.u32 $0xFFFFFFC0, v54  }
0xaa: {  	v3 =	vor.u32 v3, v4  }
0xab: {  	v4 =	vperm.xlane v3, v0;
	_ =	sdelay $0x1  }
0xac: {  	v4 =	vadd.s32 v1, v4;
	_ =	sdelay $0x4  }
0xad: {  	[tilespmem:s25], [sflag:$0x2] =	stream.indirect_vreg.gather [hbm4b:s2+s3], $0x80, v4, vm0, $0xb8;
	[tilespmem:$0x10400] =	vst v63  }
0xae: {  	s0 =	simm.s32 $0x8C00;
	v3 =	vperm.xlane v3, v2  }
0xaf: {  	[tilespmem:s0], [sflag:$0x2] =	stream.indirect_vreg.gather [hbm4b:s4+s3], $0x80, v4, vm0, $0xb8;
	[tilespmem:$0x10400] =	vst v63  }
0xb0: {  	v3 =	vadd.s32 v1, v3;
	s0 =	simm.s32 $0x9400  }
0xb1: {  	[tilespmem:s0], [sflag:$0x2] =	stream.indirect_vreg.gather [hbm4b:s5+s3], $0x80, v4, vm0, $0xb8;
	[tilespmem:$0x10400] =	vst v63  }
0xb2: {  	s1 =	simm.s32 $0x9C00  }
0xb3: {  	[tilespmem:s1], [sflag:$0x2] =	stream.indirect_vreg.gather [hbm4b:s6+s3], $0x80, v4, vm0, $0xb8;
	[tilespmem:$0x10400] =	vst v63  }
0xb4: {  	s20 =	simm.s32 $0xA400  }
0xb5: {  	[tilespmem:s20], [sflag:$0x2] =	stream.indirect_vreg.gather [hbm4b:s2+s3], $0x80, v3, vm0, $0xb8;
	[tilespmem:$0x10400] =	vst v63  }
0xb6: {  	s20 =	simm.s32 $0xAC00  }
0xb7: {  	[tilespmem:s20], [sflag:$0x2] =	stream.indirect_vreg.gather [hbm4b:s4+s3], $0x80, v3, vm0, $0xb8;
	[tilespmem:$0x10400] =	vst v63  }
0xb8: {  	s20 =	simm.s32 $0xB400  }
0xb9: {  	[tilespmem:s20], [sflag:$0x2] =	stream.indirect_vreg.gather [hbm4b:s5+s3], $0x80, v3, vm0, $0xb8;
	[tilespmem:$0x10400] =	vst v63  }
0xba: {  	s14 =	simm.s32 $0xBC00  }
0xbb: {  	[tilespmem:s14], [sflag:$0x2] =	stream.indirect_vreg.gather [hbm4b:s6+s3], $0x80, v3, vm0, $0xb8;
	[tilespmem:$0x10400] =	vst v63  }
0xbc: {  	v3 =	vld [tilespmem:$0x190];
	_ =	sdelay $0x4  }
0xbd: {  	v55 =	vshll.u32 v3, $0x3  }
0xbe: {  	v3 =	vand.u32 $0x7, v3;
	v4 =	vand.u32 $0xFFFFFFC0, v55  }
0xbf: {  	v3 =	vor.u32 v3, v4  }
0xc0: {  	v4 =	vperm.xlane v3, v0;
	_ =	sdelay $0x1  }
0xc1: {  	v4 =	vadd.s32 v1, v4;
	_ =	sdelay $0x3  }
0xc2: {  	s17 =	simm.s32 $0xC400  }
0xc3: {  	[tilespmem:s17], [sflag:$0x2] =	stream.indirect_vreg.gather [hbm4b:s2+s3], $0x80, v4, vm0, $0xb8;
	[tilespmem:$0x10400] =	vst v63  }
0xc4: {  	s20 =	simm.s32 $0xCC00;
	v3 =	vperm.xlane v3, v2  }
0xc5: {  	[tilespmem:s20], [sflag:$0x2] =	stream.indirect_vreg.gather [hbm4b:s4+s3], $0x80, v4, vm0, $0xb8;
	[tilespmem:$0x10400] =	vst v63  }
0xc6: {  	v3 =	vadd.s32 v1, v3;
	s17 =	simm.s32 $0xD400  }
0xc7: {  	[tilespmem:s17], [sflag:$0x2] =	stream.indirect_vreg.gather [hbm4b:s5+s3], $0x80, v4, vm0, $0xb8;
	[tilespmem:$0x10400] =	vst v63  }
0xc8: {  	s20 =	simm.s32 $0xDC00  }
0xc9: {  	[tilespmem:s20], [sflag:$0x2] =	stream.indirect_vreg.gather [hbm4b:s6+s3], $0x80, v4, vm0, $0xb8;
	[tilespmem:$0x10400] =	vst v63  }
0xca: {  	s17 =	simm.s32 $0xE400  }
0xcb: {  	[tilespmem:s17], [sflag:$0x2] =	stream.indirect_vreg.gather [hbm4b:s2+s3], $0x80, v3, vm0, $0xb8;
	[tilespmem:$0x10400] =	vst v63  }
0xcc: {  	s20 =	simm.s32 $0xEC00  }
0xcd: {  	[tilespmem:s20], [sflag:$0x2] =	stream.indirect_vreg.gather [hbm4b:s4+s3], $0x80, v3, vm0, $0xb8;
	[tilespmem:$0x10400] =	vst v63  }
0xce: {  	s17 =	simm.s32 $0xF400  }
0xcf: {  	[tilespmem:s17], [sflag:$0x2] =	stream.indirect_vreg.gather [hbm4b:s5+s3], $0x80, v3, vm0, $0xb8;
	[tilespmem:$0x10400] =	vst v63  }
0xd0: {  	s20 =	simm.s32 $0xFC00  }
0xd1: {  	[tilespmem:s20], [sflag:$0x2] =	stream.indirect_vreg.gather [hbm4b:s6+s3], $0x80, v3, vm0, $0xb8;
	[tilespmem:$0x10400] =	vst v63  }
0xd2: {  	_ =	swait.ge [sflag:s18], $0x8000  }
0xd3: {  	[sflag:s18] =	ssyncset.done $0x0  }
0xd4: {  	s17 =	rddreg [dreg:$0x6];
	[sflag:s18] =	ssyncadd.s32 $0xFFFF8000  }
0xd5: {  	[hbm4b:s17+s3] =	stream.linear.scatter [tilespmem:s9], [sflag:$0x3], $0x8000, $0x38;
	[tilespmem:$0x10400] =	vst v63  }
0xd6: {  	_ =	swait.ge [sflag:s8], $0x8000  }
0xd7: {  	[sflag:s8] =	ssyncset.done $0x0  }
0xd8: {  	[sflag:s8] =	ssyncadd.s32 $0xFFFF8000  }
0xd9: {  	v3 =	vld [tilespmem:$0x200];
	_ =	sdelay $0x4  }
0xda: {  	v56 =	vshll.u32 v3, $0x3  }
0xdb: {  	v3 =	vand.u32 $0x7, v3;
	v4 =	vand.u32 $0xFFFFFFC0, v56  }
0xdc: {  	v3 =	vor.u32 v3, v4  }
0xdd: {  	v4 =	vperm.xlane v3, v0;
	_ =	sdelay $0x1  }
0xde: {  	v4 =	vadd.s32 v1, v4;
	_ =	sdelay $0x4  }
0xdf: {  	[tilespmem:s9], [sflag:$0x1] =	stream.indirect_vreg.gather [hbm4b:s2+s3], $0x80, v4, vm0, $0xb8;
	[tilespmem:$0x10400] =	vst v63  }
0xe0: {  	v3 =	vperm.xlane v3, v2  }
0xe1: {  	[tilespmem:s21], [sflag:$0x1] =	stream.indirect_vreg.gather [hbm4b:s4+s3], $0x80, v4, vm0, $0xb8;
	[tilespmem:$0x10400] =	vst v63  }
0xe2: {  	v3 =	vadd.s32 v1, v3  }
0xe3: {  	[tilespmem:s22], [sflag:$0x1] =	stream.indirect_vreg.gather [hbm4b:s5+s3], $0x80, v4, vm0, $0xb8;
	[tilespmem:$0x10400] =	vst v63  }
0xe4: {  	_ = 	snop  }
0xe5: {  	[tilespmem:s23], [sflag:$0x1] =	stream.indirect_vreg.gather [hbm4b:s6+s3], $0x80, v4, vm0, $0xb8;
	[tilespmem:$0x10400] =	vst v63  }
0xe6: {  	_ = 	snop  }
0xe7: {  	[tilespmem:s24], [sflag:$0x1] =	stream.indirect_vreg.gather [hbm4b:s2+s3], $0x80, v3, vm0, $0xb8;
	[tilespmem:$0x10400] =	vst v63  }
0xe8: {  	_ = 	snop  }
0xe9: {  	[tilespmem:s26], [sflag:$0x1] =	stream.indirect_vreg.gather [hbm4b:s4+s3], $0x80, v3, vm0, $0xb8;
	[tilespmem:$0x10400] =	vst v63  }
0xea: {  	_ = 	snop  }
0xeb: {  	[tilespmem:s28], [sflag:$0x1] =	stream.indirect_vreg.gather [hbm4b:s5+s3], $0x80, v3, vm0, $0xb8;
	[tilespmem:$0x10400] =	vst v63  }
0xec: {  	_ = 	snop  }
0xed: {  	[tilespmem:s29], [sflag:$0x1] =	stream.indirect_vreg.gather [hbm4b:s6+s3], $0x80, v3, vm0, $0xb8;
	[tilespmem:$0x10400] =	vst v63  }
0xee: {  	v3 =	vld [tilespmem:$0x210];
	_ =	sdelay $0x4  }
0xef: {  	v57 =	vshll.u32 v3, $0x3  }
0xf0: {  	v3 =	vand.u32 $0x7, v3;
	v4 =	vand.u32 $0xFFFFFFC0, v57  }
0xf1: {  	v3 =	vor.u32 v3, v4  }
0xf2: {  	v4 =	vperm.xlane v3, v0;
	_ =	sdelay $0x1  }
0xf3: {  	v4 =	vadd.s32 v1, v4;
	_ =	sdelay $0x4  }
0xf4: {  	[tilespmem:s30], [sflag:$0x1] =	stream.indirect_vreg.gather [hbm4b:s2+s3], $0x80, v4, vm0, $0xb8;
	[tilespmem:$0x10400] =	vst v63  }
0xf5: {  	v3 =	vperm.xlane v3, v2  }
0xf6: {  	[tilespmem:s31], [sflag:$0x1] =	stream.indirect_vreg.gather [hbm4b:s4+s3], $0x80, v4, vm0, $0xb8;
	[tilespmem:$0x10400] =	vst v63  }
0xf7: {  	v3 =	vadd.s32 v1, v3  }
0xf8: {  	[tilespmem:s16], [sflag:$0x1] =	stream.indirect_vreg.gather [hbm4b:s5+s3], $0x80, v4, vm0, $0xb8;
	[tilespmem:$0x10400] =	vst v63  }
0xf9: {  	_ = 	snop  }
0xfa: {  	[tilespmem:s15], [sflag:$0x1] =	stream.indirect_vreg.gather [hbm4b:s6+s3], $0x80, v4, vm0, $0xb8;
	[tilespmem:$0x10400] =	vst v63  }
0xfb: {  	_ = 	snop  }
0xfc: {  	[tilespmem:s10], [sflag:$0x1] =	stream.indirect_vreg.gather [hbm4b:s2+s3], $0x80, v3, vm0, $0xb8;
	[tilespmem:$0x10400] =	vst v63  }
0xfd: {  	_ = 	snop  }
0xfe: {  	[tilespmem:s11], [sflag:$0x1] =	stream.indirect_vreg.gather [hbm4b:s4+s3], $0x80, v3, vm0, $0xb8;
	[tilespmem:$0x10400] =	vst v63  }
0xff: {  	_ = 	snop  }
0x100: {  	[tilespmem:s12], [sflag:$0x1] =	stream.indirect_vreg.gather [hbm4b:s5+s3], $0x80, v3, vm0, $0xb8;
	[tilespmem:$0x10400] =	vst v63  }
0x101: {  	_ = 	snop  }
0x102: {  	[tilespmem:s13], [sflag:$0x1] =	stream.indirect_vreg.gather [hbm4b:s6+s3], $0x80, v3, vm0, $0xb8;
	[tilespmem:$0x10400] =	vst v63  }
0x103: {  	_ =	swait.ge [sflag:s19], $0x8000  }
0x104: {  	[sflag:s19] =	ssyncset.done $0x0  }
0x105: {  	s14 =	rddreg [dreg:$0x7];
	[sflag:s19] =	ssyncadd.s32 $0xFFFF8000  }
0x106: {  	[hbm4b:s14+s3] =	stream.linear.scatter [tilespmem:s25], [sflag:$0x3], $0x8000, $0x38;
	[tilespmem:$0x10400] =	vst v63  }
0x107: {  	_ =	swait.ge [sflag:s8], $0x8000  }
0x108: {  	[sflag:s8] =	ssyncset.done $0x0  }
0x109: {  	[sflag:s8] =	ssyncadd.s32 $0xFFFF8000  }
0x10a: {  	v3 =	vld [tilespmem:$0x280];
	_ =	sdelay $0x4  }
0x10b: {  	v58 =	vshll.u32 v3, $0x3  }
0x10c: {  	v3 =	vand.u32 $0x7, v3;
	v4 =	vand.u32 $0xFFFFFFC0, v58  }
0x10d: {  	v3 =	vor.u32 v3, v4  }
0x10e: {  	v4 =	vperm.xlane v3, v0;
	_ =	sdelay $0x1  }
0x10f: {  	v4 =	vadd.s32 v1, v4;
	_ =	sdelay $0x4  }
0x110: {  	[tilespmem:s25], [sflag:$0x2] =	stream.indirect_vreg.gather [hbm4b:s2+s3], $0x80, v4, vm0, $0xb8;
	[tilespmem:$0x10400] =	vst v63  }
0x111: {  	s17 =	simm.s32 $0x8C00;
	v3 =	vperm.xlane v3, v2  }
0x112: {  	[tilespmem:s17], [sflag:$0x2] =	stream.indirect_vreg.gather [hbm4b:s4+s3], $0x80, v4, vm0, $0xb8;
	[tilespmem:$0x10400] =	vst v63  }
0x113: {  	v3 =	vadd.s32 v1, v3  }
0x114: {  	[tilespmem:s0], [sflag:$0x2] =	stream.indirect_vreg.gather [hbm4b:s5+s3], $0x80, v4, vm0, $0xb8;
	[tilespmem:$0x10400] =	vst v63  }
0x115: {  	_ = 	snop  }
0x116: {  	[tilespmem:s1], [sflag:$0x2] =	stream.indirect_vreg.gather [hbm4b:s6+s3], $0x80, v4, vm0, $0xb8;
	[tilespmem:$0x10400] =	vst v63  }
0x117: {  	s20 =	simm.s32 $0xA400  }
0x118: {  	[tilespmem:s20], [sflag:$0x2] =	stream.indirect_vreg.gather [hbm4b:s2+s3], $0x80, v3, vm0, $0xb8;
	[tilespmem:$0x10400] =	vst v63  }
0x119: {  	s17 =	simm.s32 $0xAC00  }
0x11a: {  	[tilespmem:s17], [sflag:$0x2] =	stream.indirect_vreg.gather [hbm4b:s4+s3], $0x80, v3, vm0, $0xb8;
	[tilespmem:$0x10400] =	vst v63  }
0x11b: {  	s20 =	simm.s32 $0xB400  }
0x11c: {  	[tilespmem:s20], [sflag:$0x2] =	stream.indirect_vreg.gather [hbm4b:s5+s3], $0x80, v3, vm0, $0xb8;
	[tilespmem:$0x10400] =	vst v63  }
0x11d: {  	s20 =	simm.s32 $0xBC00  }
0x11e: {  	[tilespmem:s20], [sflag:$0x2] =	stream.indirect_vreg.gather [hbm4b:s6+s3], $0x80, v3, vm0, $0xb8;
	[tilespmem:$0x10400] =	vst v63  }
0x11f: {  	v3 =	vld [tilespmem:$0x290];
	_ =	sdelay $0x4  }
0x120: {  	v59 =	vshll.u32 v3, $0x3  }
0x121: {  	v3 =	vand.u32 $0x7, v3;
	v4 =	vand.u32 $0xFFFFFFC0, v59  }
0x122: {  	v3 =	vor.u32 v3, v4  }
0x123: {  	v4 =	vperm.xlane v3, v0;
	_ =	sdelay $0x1  }
0x124: {  	v4 =	vadd.s32 v1, v4;
	_ =	sdelay $0x3  }
0x125: {  	s20 =	simm.s32 $0xC400  }
0x126: {  	[tilespmem:s20], [sflag:$0x2] =	stream.indirect_vreg.gather [hbm4b:s2+s3], $0x80, v4, vm0, $0xb8;
	[tilespmem:$0x10400] =	vst v63  }
0x127: {  	v3 =	vperm.xlane v3, v2;
	s20 =	simm.s32 $0xCC00  }
0x128: {  	[tilespmem:s20], [sflag:$0x2] =	stream.indirect_vreg.gather [hbm4b:s4+s3], $0x80, v4, vm0, $0xb8;
	[tilespmem:$0x10400] =	vst v63  }
0x129: {  	v3 =	vadd.s32 v1, v3;
	s20 =	simm.s32 $0xD400  }
0x12a: {  	[tilespmem:s20], [sflag:$0x2] =	stream.indirect_vreg.gather [hbm4b:s5+s3], $0x80, v4, vm0, $0xb8;
	[tilespmem:$0x10400] =	vst v63  }
0x12b: {  	s20 =	simm.s32 $0xDC00  }
0x12c: {  	[tilespmem:s20], [sflag:$0x2] =	stream.indirect_vreg.gather [hbm4b:s6+s3], $0x80, v4, vm0, $0xb8;
	[tilespmem:$0x10400] =	vst v63  }
0x12d: {  	s20 =	simm.s32 $0xE400  }
0x12e: {  	[tilespmem:s20], [sflag:$0x2] =	stream.indirect_vreg.gather [hbm4b:s2+s3], $0x80, v3, vm0, $0xb8;
	[tilespmem:$0x10400] =	vst v63  }
0x12f: {  	s20 =	simm.s32 $0xEC00  }
0x130: {  	[tilespmem:s20], [sflag:$0x2] =	stream.indirect_vreg.gather [hbm4b:s4+s3], $0x80, v3, vm0, $0xb8;
	[tilespmem:$0x10400] =	vst v63  }
0x131: {  	s20 =	simm.s32 $0xF400  }
0x132: {  	[tilespmem:s20], [sflag:$0x2] =	stream.indirect_vreg.gather [hbm4b:s5+s3], $0x80, v3, vm0, $0xb8;
	[tilespmem:$0x10400] =	vst v63  }
0x133: {  	s20 =	simm.s32 $0xFC00  }
0x134: {  	[tilespmem:s20], [sflag:$0x2] =	stream.indirect_vreg.gather [hbm4b:s6+s3], $0x80, v3, vm0, $0xb8;
	[tilespmem:$0x10400] =	vst v63  }
0x135: {  	_ =	swait.ge [sflag:s18], $0x8000  }
0x136: {  	[sflag:s18] =	ssyncset.done $0x0  }
0x137: {  	s20 =	rddreg [dreg:$0x8];
	[sflag:s18] =	ssyncadd.s32 $0xFFFF8000  }
0x138: {  	[hbm4b:s20+s3] =	stream.linear.scatter [tilespmem:s9], [sflag:$0x3], $0x8000, $0x38;
	[tilespmem:$0x10400] =	vst v63  }
0x139: {  	_ =	swait.ge [sflag:s8], $0x8000  }
0x13a: {  	[sflag:s8] =	ssyncset.done $0x0  }
0x13b: {  	[sflag:s8] =	ssyncadd.s32 $0xFFFF8000  }
0x13c: {  	v3 =	vld [tilespmem:$0x300];
	_ =	sdelay $0x4  }
0x13d: {  	v60 =	vshll.u32 v3, $0x3  }
0x13e: {  	v3 =	vand.u32 $0x7, v3;
	v4 =	vand.u32 $0xFFFFFFC0, v60  }
0x13f: {  	v3 =	vor.u32 v3, v4  }
0x140: {  	v4 =	vperm.xlane v3, v0;
	_ =	sdelay $0x1  }
0x141: {  	v4 =	vadd.s32 v1, v4;
	_ =	sdelay $0x4  }
0x142: {  	[tilespmem:s9], [sflag:$0x1] =	stream.indirect_vreg.gather [hbm4b:s2+s3], $0x80, v4, vm0, $0xb8;
	[tilespmem:$0x10400] =	vst v63  }
0x143: {  	v3 =	vperm.xlane v3, v2  }
0x144: {  	[tilespmem:s21], [sflag:$0x1] =	stream.indirect_vreg.gather [hbm4b:s4+s3], $0x80, v4, vm0, $0xb8;
	[tilespmem:$0x10400] =	vst v63  }
0x145: {  	v3 =	vadd.s32 v1, v3  }
0x146: {  	[tilespmem:s22], [sflag:$0x1] =	stream.indirect_vreg.gather [hbm4b:s5+s3], $0x80, v4, vm0, $0xb8;
	[tilespmem:$0x10400] =	vst v63  }
0x147: {  	_ = 	snop  }
0x148: {  	[tilespmem:s23], [sflag:$0x1] =	stream.indirect_vreg.gather [hbm4b:s6+s3], $0x80, v4, vm0, $0xb8;
	[tilespmem:$0x10400] =	vst v63  }
0x149: {  	_ = 	snop  }
0x14a: {  	[tilespmem:s24], [sflag:$0x1] =	stream.indirect_vreg.gather [hbm4b:s2+s3], $0x80, v3, vm0, $0xb8;
	[tilespmem:$0x10400] =	vst v63  }
0x14b: {  	_ = 	snop  }
0x14c: {  	[tilespmem:s26], [sflag:$0x1] =	stream.indirect_vreg.gather [hbm4b:s4+s3], $0x80, v3, vm0, $0xb8;
	[tilespmem:$0x10400] =	vst v63  }
0x14d: {  	_ = 	snop  }
0x14e: {  	[tilespmem:s28], [sflag:$0x1] =	stream.indirect_vreg.gather [hbm4b:s5+s3], $0x80, v3, vm0, $0xb8;
	[tilespmem:$0x10400] =	vst v63  }
0x14f: {  	_ = 	snop  }
0x150: {  	[tilespmem:s29], [sflag:$0x1] =	stream.indirect_vreg.gather [hbm4b:s6+s3], $0x80, v3, vm0, $0xb8;
	[tilespmem:$0x10400] =	vst v63  }
0x151: {  	v3 =	vld [tilespmem:$0x310];
	_ =	sdelay $0x4  }
0x152: {  	v61 =	vshll.u32 v3, $0x3  }
0x153: {  	v3 =	vand.u32 $0x7, v3;
	v4 =	vand.u32 $0xFFFFFFC0, v61  }
0x154: {  	v3 =	vor.u32 v3, v4  }
0x155: {  	v4 =	vperm.xlane v3, v0;
	_ =	sdelay $0x1  }
0x156: {  	v4 =	vadd.s32 v1, v4;
	_ =	sdelay $0x4  }
0x157: {  	[tilespmem:s30], [sflag:$0x1] =	stream.indirect_vreg.gather [hbm4b:s2+s3], $0x80, v4, vm0, $0xb8;
	[tilespmem:$0x10400] =	vst v63  }
0x158: {  	v3 =	vperm.xlane v3, v2  }
0x159: {  	[tilespmem:s31], [sflag:$0x1] =	stream.indirect_vreg.gather [hbm4b:s4+s3], $0x80, v4, vm0, $0xb8;
	[tilespmem:$0x10400] =	vst v63  }
0x15a: {  	v3 =	vadd.s32 v1, v3  }
0x15b: {  	[tilespmem:s16], [sflag:$0x1] =	stream.indirect_vreg.gather [hbm4b:s5+s3], $0x80, v4, vm0, $0xb8;
	[tilespmem:$0x10400] =	vst v63  }
0x15c: {  	_ = 	snop  }
0x15d: {  	[tilespmem:s15], [sflag:$0x1] =	stream.indirect_vreg.gather [hbm4b:s6+s3], $0x80, v4, vm0, $0xb8;
	[tilespmem:$0x10400] =	vst v63  }
0x15e: {  	_ = 	snop  }
0x15f: {  	[tilespmem:s10], [sflag:$0x1] =	stream.indirect_vreg.gather [hbm4b:s2+s3], $0x80, v3, vm0, $0xb8;
	[tilespmem:$0x10400] =	vst v63  }
0x160: {  	_ = 	snop  }
0x161: {  	[tilespmem:s11], [sflag:$0x1] =	stream.indirect_vreg.gather [hbm4b:s4+s3], $0x80, v3, vm0, $0xb8;
	[tilespmem:$0x10400] =	vst v63  }
0x162: {  	_ = 	snop  }
0x163: {  	[tilespmem:s12], [sflag:$0x1] =	stream.indirect_vreg.gather [hbm4b:s5+s3], $0x80, v3, vm0, $0xb8;
	[tilespmem:$0x10400] =	vst v63  }
0x164: {  	_ = 	snop  }
0x165: {  	[tilespmem:s13], [sflag:$0x1] =	stream.indirect_vreg.gather [hbm4b:s6+s3], $0x80, v3, vm0, $0xb8;
	[tilespmem:$0x10400] =	vst v63  }
0x166: {  	_ =	swait.ge [sflag:s19], $0x8000  }
0x167: {  	[sflag:s19] =	ssyncset.done $0x0  }
0x168: {  	s10 =	rddreg [dreg:$0x9];
	[sflag:s19] =	ssyncadd.s32 $0xFFFF8000  }
0x169: {  	[hbm4b:s10+s3] =	stream.linear.scatter [tilespmem:s25], [sflag:$0x3], $0x8000, $0x38;
	[tilespmem:$0x10400] =	vst v63  }
0x16a: {  	_ =	swait.ge [sflag:s8], $0x8000  }
0x16b: {  	[sflag:s8] =	ssyncset.done $0x0  }
0x16c: {  	[sflag:s8] =	ssyncadd.s32 $0xFFFF8000  }
0x16d: {  	v3 =	vld [tilespmem:$0x380];
	_ =	sdelay $0x4  }
0x16e: {  	v62 =	vshll.u32 v3, $0x3  }
0x16f: {  	v3 =	vand.u32 $0x7, v3;
	v4 =	vand.u32 $0xFFFFFFC0, v62  }
0x170: {  	v3 =	vor.u32 v3, v4  }
0x171: {  	v4 =	vperm.xlane v3, v0;
	_ =	sdelay $0x1  }
0x172: {  	v4 =	vadd.s32 v1, v4;
	_ =	sdelay $0x4  }
0x173: {  	[tilespmem:s25], [sflag:$0x2] =	stream.indirect_vreg.gather [hbm4b:s2+s3], $0x80, v4, vm0, $0xb8;
	[tilespmem:$0x10400] =	vst v63  }
0x174: {  	s20 =	simm.s32 $0x8C00;
	v3 =	vperm.xlane v3, v2  }
0x175: {  	[tilespmem:s20], [sflag:$0x2] =	stream.indirect_vreg.gather [hbm4b:s4+s3], $0x80, v4, vm0, $0xb8;
	[tilespmem:$0x10400] =	vst v63  }
0x176: {  	s0 =	simm.s32 $0x9400;
	v3 =	vadd.s32 v1, v3  }
0x177: {  	[tilespmem:s0], [sflag:$0x2] =	stream.indirect_vreg.gather [hbm4b:s5+s3], $0x80, v4, vm0, $0xb8;
	[tilespmem:$0x10400] =	vst v63  }
0x178: {  	s1 =	simm.s32 $0x9C00  }
0x179: {  	[tilespmem:s1], [sflag:$0x2] =	stream.indirect_vreg.gather [hbm4b:s6+s3], $0x80, v4, vm0, $0xb8;
	[tilespmem:$0x10400] =	vst v63  }
0x17a: {  	s10 =	simm.s32 $0xA400  }
0x17b: {  	[tilespmem:s10], [sflag:$0x2] =	stream.indirect_vreg.gather [hbm4b:s2+s3], $0x80, v3, vm0, $0xb8;
	[tilespmem:$0x10400] =	vst v63  }
0x17c: {  	s14 =	simm.s32 $0xAC00  }
0x17d: {  	[tilespmem:s14], [sflag:$0x2] =	stream.indirect_vreg.gather [hbm4b:s4+s3], $0x80, v3, vm0, $0xb8;
	[tilespmem:$0x10400] =	vst v63  }
0x17e: {  	s17 =	simm.s32 $0xB400  }
0x17f: {  	[tilespmem:s17], [sflag:$0x2] =	stream.indirect_vreg.gather [hbm4b:s5+s3], $0x80, v3, vm0, $0xb8;
	[tilespmem:$0x10400] =	vst v63  }
0x180: {  	s17 =	simm.s32 $0xBC00  }
0x181: {  	[tilespmem:s17], [sflag:$0x2] =	stream.indirect_vreg.gather [hbm4b:s6+s3], $0x80, v3, vm0, $0xb8;
	[tilespmem:$0x10400] =	vst v63  }
0x182: {  	v3 =	vld [tilespmem:$0x390];
	_ =	sdelay $0x4  }
0x183: {  	v63 =	vshll.u32 v3, $0x3  }
0x184: {  	v3 =	vand.u32 $0x7, v3;
	v4 =	vand.u32 $0xFFFFFFC0, v63  }
0x185: {  	v3 =	vor.u32 v3, v4  }
0x186: {  	v4 =	vperm.xlane v3, v0;
	_ =	sdelay $0x1  }
0x187: {  	v4 =	vadd.s32 v1, v4;
	_ =	sdelay $0x3  }
0x188: {  	s20 =	simm.s32 $0xC400  }
0x189: {  	[tilespmem:s20], [sflag:$0x2] =	stream.indirect_vreg.gather [hbm4b:s2+s3], $0x80, v4, vm0, $0xb8;
	[tilespmem:$0x10400] =	vst v63  }
0x18a: {  	s1 =	simm.s32 $0xCC00;
	v3 =	vperm.xlane v3, v2  }
0x18b: {  	[tilespmem:s1], [sflag:$0x2] =	stream.indirect_vreg.gather [hbm4b:s4+s3], $0x80, v4, vm0, $0xb8;
	[tilespmem:$0x10400] =	vst v63  }
0x18c: {  	s10 =	simm.s32 $0xD400;
	v3 =	vadd.s32 v1, v3  }
0x18d: {  	[tilespmem:s10], [sflag:$0x2] =	stream.indirect_vreg.gather [hbm4b:s5+s3], $0x80, v4, vm0, $0xb8;
	[tilespmem:$0x10400] =	vst v63  }
0x18e: {  	s14 =	simm.s32 $0xDC00  }
0x18f: {  	[tilespmem:s14], [sflag:$0x2] =	stream.indirect_vreg.gather [hbm4b:s6+s3], $0x80, v4, vm0, $0xb8;
	[tilespmem:$0x10400] =	vst v63  }
0x190: {  	s17 =	simm.s32 $0xE400  }
0x191: {  	[tilespmem:s17], [sflag:$0x2] =	stream.indirect_vreg.gather [hbm4b:s2+s3], $0x80, v3, vm0, $0xb8;
	[tilespmem:$0x10400] =	vst v63  }
0x192: {  	s20 =	simm.s32 $0xEC00  }
0x193: {  	[tilespmem:s20], [sflag:$0x2] =	stream.indirect_vreg.gather [hbm4b:s4+s3], $0x80, v3, vm0, $0xb8;
	[tilespmem:$0x10400] =	vst v63  }
0x194: {  	s1 =	simm.s32 $0xF400  }
0x195: {  	[tilespmem:s1], [sflag:$0x2] =	stream.indirect_vreg.gather [hbm4b:s5+s3], $0x80, v3, vm0, $0xb8;
	[tilespmem:$0x10400] =	vst v63  }
0x196: {  	s10 =	simm.s32 $0xFC00  }
0x197: {  	[tilespmem:s10], [sflag:$0x2] =	stream.indirect_vreg.gather [hbm4b:s6+s3], $0x80, v3, vm0, $0xb8;
	[tilespmem:$0x10400] =	vst v63  }
0x198: {  	_ =	swait.ge [sflag:s18], $0x8000  }
0x199: {  	[sflag:s18] =	ssyncset.done $0x0  }
0x19a: {  	s14 =	rddreg [dreg:$0xa];
	[sflag:s18] =	ssyncadd.s32 $0xFFFF8000  }
0x19b: {  	[hbm4b:s14+s3] =	stream.linear.scatter [tilespmem:s9], [sflag:$0x3], $0x8000, $0x38;
	[tilespmem:$0x10400] =	vst v63  }
0x19c: {  	_ =	swait.ge [sflag:s8], $0x8000  }
0x19d: {  	[sflag:s8] =	ssyncset.done $0x0  }
0x19e: {  	[sflag:s8] =	ssyncadd.s32 $0xFFFF8000  }
0x19f: {  	_ =	swait.ge [sflag:s19], $0x8000  }
0x1a0: {  	p0 =	sne.s32 s7, $0x1;
	[sflag:s19] =	ssyncset.done $0x0  }
.Ltmp0:
0x1a1: {  	s17 =	rddreg [dreg:$0xb];
	[sflag:s19] =	ssyncadd.s32 $0xFFFF8000;
	(pc) =	sbr.rel @p0 .LBB2_1-.Ltmp0, $4  }
0x1a2: {  	[hbm4b:s17+s3] =	stream.linear.scatter [tilespmem:s25], [sflag:$0x3], $0x8000, $0x38;
	[tilespmem:$0x10400] =	vst v63  }
0x1a3: {  	_ =	swait.ge [sflag:s8], $0x8000  }
0x1a4: {  	[sflag:s8] =	ssyncset.done $0x0  }
0x1a5: {  	s7 =	sadd.s32 $0xFFFFFFFF, s7;
	[sflag:s8] =	ssyncadd.s32 $0xFFFF8000  }
0x1a6: {  	_ =	sfence.sel $0x180000  }
0x1a7: {  	[bflag:$0x0] =	sbarrier.arrive $0xFFFF  }
0x1a8: {  	_ =	strace $0x9000004A  }
0x1a9: {  	s0 =	stileid.u32;
	[bflag:$0x2] =	sbarrier.arrive $0xFFFF  }
0x1aa: {  	p0 =	sne.s32 s0, $0x0;
	s0 =	rddreg [dreg:$0x2]  }
0x1ab: {  	s0 =	sadd.s32 @!p0 $0x100000, s0  }
0x1ac: {  	[sflag:s0] =	ssyncadd.tile.s32 @!p0 $0x1;
	_ =	shalt  }
.Lfunc_end2:
_tile_overlayer_lowered:
.L_overlay_start_2:
0x1ad: {  	(tag) =	ssettag $0x2  }
0x1ae: {  	s0 =	rddreg [dreg:$0x0];
	s2 =	stileid.u32  }
0x1af: {  	s1 =	rddreg [dreg:$0x1];
	p0 =	sne.s32 s2, $0x0  }
0x1b0: {  	s3 =	rddreg [dreg:$0x2];
	[bflag:$0x3] =	sbarrier.arrive $0xFFFF;
	s2 =	simm.s32 @!p0 $0x1C03  }
0x1b1: {  	[timem:s3], [sflag:s2] =	dma.local @!p0 [hbm:s0], s1  }
0x1b2: {  	s0 =	simm.s32 @!p0 $0x3  }
0x1b3: {  	_ =	swait.ge @!p0 [sflag:s0], s1  }
0x1b4: {  	s1 =	ssub.s32 @!p0 $0x0, s1;
	[sflag:s0] =	ssyncset.done @!p0 $0x0  }
0x1b5: {  	[sflag:s0] =	ssyncadd.s32 @!p0 s1  }
0x1b6: {  	[bflag:$0x3] =	sbarrier.arrive $0xFFFF  }
0x1b7: {  	_ =	shalt  }

</sc_bundles>
